<compile_context>
chip_gen: v7x
topology: tpu7x:2x2x1
jax: 0.10.2.dev20260603
libtpu: 0.0.44.dev20260713+nightly
codegen_flags: <defaults>
</compile_context>

<pallas_src>
import functools

import jax
import jax.numpy as jnp
from jax import lax
from jax.experimental import pallas as pl
from jax.experimental.pallas import tpu as pltpu
from jax.experimental.pallas import tpu_sc as plsc

_VOCAB = 1000000
_D = 64
_DP = 128
_SEQ = 200
_BATCH = 1024

_NC = 2
_NS = 16
_NW = _NC * _NS
_SEQ_PER_W = _BATCH // _NW
_ROWS_PER_W = _SEQ_PER_W * _SEQ
_CSEQ = 2
_CROWS = _CSEQ * _SEQ
_NCHUNK = _SEQ_PER_W // _CSEQ


def _build_sc_call():
    mesh = plsc.VectorSubcoreMesh(core_axis_name="c", subcore_axis_name="s")

    @functools.partial(
        pl.kernel,
        mesh=mesh,
        compiler_params=pltpu.CompilerParams(use_tc_tiling_on_sc=False),
        out_type=jax.ShapeDtypeStruct((_SEQ, _BATCH, _DP), jnp.float32),
        scratch_types=[
            pltpu.VMEM((_SEQ_PER_W, _SEQ), jnp.int32),
            pltpu.VMEM((_ROWS_PER_W,), jnp.int32),
            pltpu.VMEM((2, _CROWS, _DP), jnp.float32),
            pltpu.SemaphoreType.DMA,
            pltpu.SemaphoreType.DMA,
            pltpu.SemaphoreType.DMA,
            pltpu.SemaphoreType.DMA,
            pltpu.SemaphoreType.DMA,
        ],
    )
    def sc_gather(ids_hbm, remap_hbm, emb_hbm, out_hbm,
                  ids_v, dict_v, rows_v,
                  sem_r, sem_e0, sem_e1, sem_o0, sem_o1):
        wid = lax.axis_index("s") * _NC + lax.axis_index("c")
        seq0 = wid * _SEQ_PER_W
        row0 = wid * _ROWS_PER_W
        sem_e = (sem_e0, sem_e1)
        sem_o = (sem_o0, sem_o1)

        pltpu.sync_copy(ids_hbm.at[pl.ds(seq0, _SEQ_PER_W)], ids_v)

        def remap_row(j):
            return pltpu.make_async_copy(
                remap_hbm.at[ids_v.at[j]],
                dict_v.at[pl.ds(j * _SEQ, _SEQ)],
                sem_r,
            )

        def fire_remap(j, carry):
            remap_row(j).start()
            return carry

        def drain_remap(j, carry):
            remap_row(j).wait()
            return carry

        lax.fori_loop(0, _SEQ_PER_W, fire_remap, 0)
        lax.fori_loop(0, _SEQ_PER_W, drain_remap, 0)

        def dict_slice(i):
            return dict_v.at[pl.ds(i * _CROWS, _CROWS)]

        def start_emb(i, b):
            pltpu.make_async_copy(
                emb_hbm.at[dict_slice(i)], rows_v.at[b], sem_e[b],
            ).start()

        def wait_emb(i, b):
            pltpu.make_async_copy(
                emb_hbm.at[dict_slice(i)], rows_v.at[b], sem_e[b],
            ).wait()

        def out_copies(i, b):
            bcol = seq0 + i * _CSEQ
            return [
                pltpu.make_async_copy(
                    rows_v.at[b].at[pl.ds(c * _SEQ, _SEQ)],
                    out_hbm.at[:, bcol + c],
                    sem_o[b],
                )
                for c in range(_CSEQ)
            ]

        start_emb(0, 0)

        def step(i, b):
            wait_emb(i, b)

            @pl.when(i + 1 < _NCHUNK)
            def _():
                @pl.when(i >= 1)
                def _():
                    for cp in out_copies(i - 1, 1 - b):
                        cp.wait()
                start_emb(i + 1, 1 - b)

            for cp in out_copies(i, b):
                cp.start()

        def pair(g, carry):
            step(2 * g, 0)
            step(2 * g + 1, 1)
            return carry

        lax.fori_loop(0, _NCHUNK // 2, pair, 0)

        for cp in out_copies(_NCHUNK - 2, 0):
            cp.wait()
        for cp in out_copies(_NCHUNK - 1, 1):
            cp.wait()

    return sc_gather


_SC_CALL = _build_sc_call()

_SBLK = 8


def _add_wpe_transpose(g_s, wpe):
    def body(g_ref, wpe_ref, eye_ref, out_ref):
        s0 = pl.program_id(0) * _SBLK
        for c in range(_SBLK):
            x = g_ref[c][:, 0:_D]
            w = wpe_ref[s0 + c, :].reshape(_D, 1)
            xt = jax.lax.dot_general(
                eye_ref[...], x, (((1,), (1,)), ((), ())),
                preferred_element_type=jnp.float32)
            out_ref[c, :, :] = xt + w

    return pl.pallas_call(
        body,
        grid=(_SEQ // _SBLK,),
        in_specs=[
            pl.BlockSpec((_SBLK, _BATCH, _DP), lambda s: (s, 0, 0)),
            pl.BlockSpec((_SEQ, _D), lambda s: (0, 0)),
            pl.BlockSpec((_D, _D), lambda s: (0, 0)),
        ],
        out_specs=pl.BlockSpec((_SBLK, _D, _BATCH), lambda s: (s, 0, 0)),
        out_shape=jax.ShapeDtypeStruct((_SEQ, _D, _BATCH), jnp.float32),
    )(g_s, wpe, jnp.eye(_D, dtype=jnp.float32))


def kernel(input_ids, attention_mask, embedding_dict, input_ids2dict_ids, wpe):
    emb_p = jnp.pad(embedding_dict, ((0, 0), (0, _DP - _D)))
    g_s = _SC_CALL(input_ids, input_ids2dict_ids, emb_p)
    out_t = _add_wpe_transpose(g_s, wpe)
    return jnp.transpose(out_t, (2, 0, 1)), attention_mask

# --- scband reference (transcript-rebuilt; emitter-appended) ---
"""Pipeline reference for scband-random-embedding-encoder-w-pos-emb-83889301225850 (READ-ONLY COPY).

The authoritative reference and input builder live on the scoring server;
editing this copy changes nothing except your own understanding.
"""

import jax, jax.numpy as jnp
import numpy as np

VOCAB = 1000000
EMBED_DIM = 64
MAX_SEQ_LEN = 200
BATCH = 1024
SEQ = 200
WPE_SCALE = 1.0


def get_positional_encodings(seq_len, d_model):
    position = jnp.arange(seq_len, dtype=jnp.float32)[:, None]
    div_term = jnp.exp(jnp.arange(0, d_model, 2, dtype=jnp.float32) * (-(jnp.log(jnp.array(10000.0)) / d_model)))
    wpe = jnp.zeros((seq_len, d_model), dtype=jnp.float32)
    wpe = wpe.at[:, 0::2].set(jnp.sin(position * div_term))
    wpe = wpe.at[:, 1::2].set(jnp.cos(position * div_term))
    return wpe


def setup_inputs(seed: int = 0) -> dict:
    key = jax.random.key(seed)
    k1, k2, k3 = jax.random.split(key, 3)
    input_ids = jax.random.randint(k1, (BATCH, SEQ), 0, VOCAB, dtype=jnp.int32)
    attention_mask = jnp.ones((BATCH, SEQ), dtype=jnp.float32)
    # Learned/param tensors (constructor args in the torch module):
    embedding_dict = jax.random.normal(k2, (VOCAB, EMBED_DIM), dtype=jnp.float32)
    # input_ids -> dict_ids remap table (dict in torch, dense int lookup table here)
    input_ids2dict_ids = jax.random.randint(k3, (VOCAB,), 0, VOCAB, dtype=jnp.int32)
    wpe = get_positional_encodings(MAX_SEQ_LEN, EMBED_DIM) * WPE_SCALE
    return {
        "input_ids": input_ids,
        "attention_mask": attention_mask,
        "embedding_dict": embedding_dict,
        "input_ids2dict_ids": input_ids2dict_ids,
        "wpe": wpe,
    }


def reference(input_ids, attention_mask, embedding_dict, input_ids2dict_ids, wpe):
    # indices = input_ids2dict_ids[input_ids] (the per-element dict lookup in torch)
    indices = jnp.take(input_ids2dict_ids, input_ids, axis=0)
    # embeddings = embedding_dict[indices]
    embeddings = jnp.take(embedding_dict, indices, axis=0)
    # 3-D path: add positional encodings broadcast over batch
    embeddings = embeddings + wpe[None, :embeddings.shape[-2], :]
    return (embeddings, attention_mask)

if __name__ == "__main__":
    import jax
    _d = setup_inputs()
    print(jax.jit(kernel)(*tuple(_d.values())))

</pallas_src>

<mosaic_0001>
#map = affine_map<(d0, d1) -> (0, 0)>
#map1 = affine_map<(d0, d1) -> (0)>
#map2 = affine_map<(d0, d1) -> (0, 0, 0)>
module attributes {stable_mosaic.version = 14 : i64} {
  func.func @sc_gather(%arg0: i32, %arg1: i32, %arg2: memref<1024x200xi32, #tpu.memory_space<hbm>>, %arg3: memref<1000000xi32, #tpu.memory_space<hbm>>, %arg4: memref<1000000x128xf32, #tpu.memory_space<hbm>>, %arg5: memref<200x1024x128xf32, #tpu.memory_space<hbm>>, %arg6: memref<32x200xi32, #tpu.memory_space<vmem>>, %arg7: memref<6400xi32, #tpu.memory_space<vmem>>, %arg8: memref<2x400x128xf32, #tpu.memory_space<vmem>>, %arg9: memref<!tpu.dma_semaphore, #tpu.memory_space<semaphore_mem>>, %arg10: memref<!tpu.dma_semaphore, #tpu.memory_space<semaphore_mem>>, %arg11: memref<!tpu.dma_semaphore, #tpu.memory_space<semaphore_mem>>, %arg12: memref<!tpu.dma_semaphore, #tpu.memory_space<semaphore_mem>>, %arg13: memref<!tpu.dma_semaphore, #tpu.memory_space<semaphore_mem>>) attributes {dimension_semantics = [#tpu.dimension_semantics<core_parallel>, #tpu.dimension_semantics<subcore_parallel>], iteration_bounds = array<i64: 2, 16>, scalar_prefetch = 0 : i64, scratch_operands = 8 : i64, tpu.core_type = #tpu.core_type<sc_vector_subcore>, window_params = [{transform_indices = #map}, {transform_indices = #map1}, {transform_indices = #map}, {transform_indices = #map2}]} {
    %mul3A = arith.constant 2 : i32
    %mul3A_0 = arith.muli %arg1, %mul3A : i32
    %add3A = arith.addi %mul3A_0, %arg0 : i32
    %mul3A_1 = arith.constant 32 : i32
    %mul3A_2 = arith.muli %add3A, %mul3A_1 : i32
    %mul3A_3 = arith.constant 6400 : i32
    %mul3A_4 = arith.muli %add3A, %mul3A_3 : i32
    "tpu.region"() ({
      %run_scoped3A = tpu.sem_alloc : memref<!tpu.dma_semaphore, #tpu.memory_space<semaphore_mem>>
      %dma_start3A_134 = arith.constant 0 : i32
      %dma_start3A_135 = tpu.memref_slice %arg2[%mul3A_2, %dma_start3A_134] : memref<1024x200xi32, #tpu.memory_space<hbm>> -> memref<32x200xi32, #tpu.memory_space<hbm>>
      %dma_start3A_136 = arith.constant 0 : i32
      %dma_start3A_137 = tpu.memref_slice %arg2[%mul3A_2, %dma_start3A_136] : memref<1024x200xi32, #tpu.memory_space<hbm>> -> memref<32x200xi32, #tpu.memory_space<hbm>>
      tpu.enqueue_dma source(%dma_start3A_137 : memref<32x200xi32, #tpu.memory_space<hbm>>) target(%arg6 : memref<32x200xi32, #tpu.memory_space<vmem>>) target_semaphore(%run_scoped3A : memref<!tpu.dma_semaphore, #tpu.memory_space<semaphore_mem>>)
      %dma_wait3A_138 = arith.constant 0 : i32
      %dma_wait3A_139 = tpu.memref_slice %arg2[%mul3A_2, %dma_wait3A_138] : memref<1024x200xi32, #tpu.memory_space<hbm>> -> memref<32x200xi32, #tpu.memory_space<hbm>>
      %dma_wait3A_140 = arith.constant 0 : i32
      %dma_wait3A_141 = tpu.memref_slice %arg2[%mul3A_2, %dma_wait3A_140] : memref<1024x200xi32, #tpu.memory_space<hbm>> -> memref<32x200xi32, #tpu.memory_space<hbm>>
      tpu.wait_dma2 semaphore(%run_scoped3A : memref<!tpu.dma_semaphore, #tpu.memory_space<semaphore_mem>>) src(%dma_wait3A_141 : memref<32x200xi32, #tpu.memory_space<hbm>>) dst(%arg6 : memref<32x200xi32, #tpu.memory_space<vmem>>)
      tpu.yield
    }) : () -> ()
    %scan3A = arith.constant 0 : i32
    %scan3A_5 = arith.constant 0 : i32
    %scan3A_6 = arith.constant 32 : i32
    %scan3A_7 = arith.addi %scan3A_5, %scan3A_6 : i32
    %scan3A_8 = arith.constant 1 : i32
    scf.for %scan3A_134 = %scan3A_5 to %scan3A_7 step %scan3A_8  : i32 {
      %mul3A_135 = arith.constant 200 : i32
      %mul3A_136 = arith.muli %scan3A_134, %mul3A_135 : i32
      %dma_start3A_137 = tpu.memref_slice %arg7[%mul3A_136] : memref<6400xi32, #tpu.memory_space<vmem>> -> memref<200xi32, #tpu.memory_space<vmem>>
      %dma_start3A_138 = arith.constant 0 : i32
      %dma_start3A_139 = tpu.memref_slice %arg6[%scan3A_134, %dma_start3A_138] : memref<32x200xi32, #tpu.memory_space<vmem>> -> memref<1x200xi32, #tpu.memory_space<vmem>>
      %dma_start3A_140 = tpu.memref_squeeze %dma_start3A_139 : memref<1x200xi32, #tpu.memory_space<vmem>> -> memref<200xi32, #tpu.memory_space<vmem>>
      %dma_start3A_141 = arith.constant 0 : i32
      %dma_start3A_142 = tpu.memref_slice %arg3[%dma_start3A_141] : memref<1000000xi32, #tpu.memory_space<hbm>> -> memref<1000000xi32, #tpu.memory_space<hbm>>
      tpu.enqueue_indirect_dma source(%dma_start3A_142 : memref<1000000xi32, #tpu.memory_space<hbm>>) target(%dma_start3A_137 : memref<200xi32, #tpu.memory_space<vmem>>) offsets(%dma_start3A_140 : memref<200xi32, #tpu.memory_space<vmem>>) semaphore(%arg9 : memref<!tpu.dma_semaphore, #tpu.memory_space<semaphore_mem>>)
    }
    %scan3A_9 = arith.constant 32 : i32
    %scan3A_10 = arith.constant 0 : i32
    %scan3A_11 = arith.constant 0 : i32
    %scan3A_12 = arith.constant 32 : i32
    %scan3A_13 = arith.addi %scan3A_11, %scan3A_12 : i32
    %scan3A_14 = arith.constant 1 : i32
    scf.for %scan3A_134 = %scan3A_11 to %scan3A_13 step %scan3A_14  : i32 {
      %mul3A_135 = arith.constant 200 : i32
      %mul3A_136 = arith.muli %scan3A_134, %mul3A_135 : i32
      %dma_wait3A_137 = tpu.memref_slice %arg7[%mul3A_136] : memref<6400xi32, #tpu.memory_space<vmem>> -> memref<200xi32, #tpu.memory_space<vmem>>
      %dma_wait3A_138 = arith.constant 0 : i32
      %dma_wait3A_139 = tpu.memref_slice %arg6[%scan3A_134, %dma_wait3A_138] : memref<32x200xi32, #tpu.memory_space<vmem>> -> memref<1x200xi32, #tpu.memory_space<vmem>>
      %dma_wait3A_140 = tpu.memref_squeeze %dma_wait3A_139 : memref<1x200xi32, #tpu.memory_space<vmem>> -> memref<200xi32, #tpu.memory_space<vmem>>
      %dma_wait3A_141 = arith.constant 0 : i32
      %dma_wait3A_142 = tpu.memref_slice %arg3[%dma_wait3A_141] : memref<1000000xi32, #tpu.memory_space<hbm>> -> memref<1000000xi32, #tpu.memory_space<hbm>>
      tpu.wait_indirect_dma semaphore(%arg9 : memref<!tpu.dma_semaphore, #tpu.memory_space<semaphore_mem>>) src(%dma_wait3A_142 : memref<1000000xi32, #tpu.memory_space<hbm>>) dst(%dma_wait3A_137 : memref<200xi32, #tpu.memory_space<vmem>>)
    }
    %scan3A_15 = arith.constant 32 : i32
    %dma_start3A = arith.constant 0 : i32
    %dma_start3A_16 = arith.constant 0 : i32
    %dma_start3A_17 = arith.constant 0 : i32
    %dma_start3A_18 = tpu.memref_slice %arg8[%dma_start3A, %dma_start3A_16, %dma_start3A_17] : memref<2x400x128xf32, #tpu.memory_space<vmem>> -> memref<1x400x128xf32, #tpu.memory_space<vmem>>
    %dma_start3A_19 = tpu.memref_squeeze %dma_start3A_18 : memref<1x400x128xf32, #tpu.memory_space<vmem>> -> memref<400x128xf32, #tpu.memory_space<vmem>>
    %dma_start3A_20 = arith.constant 0 : i32
    %dma_start3A_21 = tpu.memref_slice %arg7[%dma_start3A_20] : memref<6400xi32, #tpu.memory_space<vmem>> -> memref<400xi32, #tpu.memory_space<vmem>>
    %dma_start3A_22 = arith.constant 0 : i32
    %dma_start3A_23 = arith.constant 0 : i32
    %dma_start3A_24 = tpu.memref_slice %arg4[%dma_start3A_22, %dma_start3A_23] : memref<1000000x128xf32, #tpu.memory_space<hbm>> -> memref<1000000x128xf32, #tpu.memory_space<hbm>>
    tpu.enqueue_indirect_dma source(%dma_start3A_24 : memref<1000000x128xf32, #tpu.memory_space<hbm>>) target(%dma_start3A_19 : memref<400x128xf32, #tpu.memory_space<vmem>>) offsets(%dma_start3A_21 : memref<400xi32, #tpu.memory_space<vmem>>) semaphore(%arg10 : memref<!tpu.dma_semaphore, #tpu.memory_space<semaphore_mem>>)
    %scan3A_25 = arith.constant 0 : i32
    %scan3A_26 = arith.constant 0 : i32
    %scan3A_27 = arith.constant 8 : i32
    %scan3A_28 = arith.addi %scan3A_26, %scan3A_27 : i32
    %scan3A_29 = arith.constant 1 : i32
    scf.for %scan3A_134 = %scan3A_26 to %scan3A_28 step %scan3A_29  : i32 {
      %mul3A_135 = arith.constant 2 : i32
      %mul3A_136 = arith.muli %mul3A_135, %scan3A_134 : i32
      %mul3A_137 = arith.constant 400 : i32
      %mul3A_138 = arith.muli %mul3A_136, %mul3A_137 : i32
      %dma_wait3A_139 = arith.constant 0 : i32
      %dma_wait3A_140 = arith.constant 0 : i32
      %dma_wait3A_141 = arith.constant 0 : i32
      %dma_wait3A_142 = tpu.memref_slice %arg8[%dma_wait3A_139, %dma_wait3A_140, %dma_wait3A_141] : memref<2x400x128xf32, #tpu.memory_space<vmem>> -> memref<1x400x128xf32, #tpu.memory_space<vmem>>
      %dma_wait3A_143 = tpu.memref_squeeze %dma_wait3A_142 : memref<1x400x128xf32, #tpu.memory_space<vmem>> -> memref<400x128xf32, #tpu.memory_space<vmem>>
      %dma_wait3A_144 = tpu.memref_slice %arg7[%mul3A_138] : memref<6400xi32, #tpu.memory_space<vmem>> -> memref<400xi32, #tpu.memory_space<vmem>>
      %dma_wait3A_145 = arith.constant 0 : i32
      %dma_wait3A_146 = arith.constant 0 : i32
      %dma_wait3A_147 = tpu.memref_slice %arg4[%dma_wait3A_145, %dma_wait3A_146] : memref<1000000x128xf32, #tpu.memory_space<hbm>> -> memref<1000000x128xf32, #tpu.memory_space<hbm>>
      tpu.wait_indirect_dma semaphore(%arg10 : memref<!tpu.dma_semaphore, #tpu.memory_space<semaphore_mem>>) src(%dma_wait3A_147 : memref<1000000x128xf32, #tpu.memory_space<hbm>>) dst(%dma_wait3A_143 : memref<400x128xf32, #tpu.memory_space<vmem>>)
      %add3A_148 = arith.constant 1 : i32
      %add3A_149 = arith.addi %mul3A_136, %add3A_148 : i32
      %lt3A = arith.constant 16 : i32
      %lt3A_150 = arith.cmpi slt, %add3A_149, %lt3A : i32
      %convert_element_type3A = arith.extui %lt3A_150 : i1 to i32
      %cond3A = arith.constant 0 : i32
      %cond3A_151 = arith.cmpi ne, %convert_element_type3A, %cond3A : i32
      scf.if %cond3A_151 {
        %ge3A = arith.constant 1 : i32
        %ge3A_280 = arith.cmpi sge, %mul3A_136, %ge3A : i32
        %convert_element_type3A_281 = arith.extui %ge3A_280 : i1 to i32
        %cond3A_282 = arith.constant 0 : i32
        %cond3A_283 = arith.cmpi ne, %convert_element_type3A_281, %cond3A_282 : i32
        scf.if %cond3A_283 {
          %sub3A = arith.constant 1 : i32
          %sub3A_297 = arith.subi %mul3A_136, %sub3A : i32
          %mul3A_298 = arith.constant 2 : i32
          %mul3A_299 = arith.muli %sub3A_297, %mul3A_298 : i32
          %add3A_300 = arith.addi %mul3A_2, %mul3A_299 : i32
          %add3A_301 = arith.constant 0 : i32
          %add3A_302 = arith.addi %add3A_300, %add3A_301 : i32
          %add3A_303 = arith.constant 1 : i32
          %add3A_304 = arith.addi %add3A_300, %add3A_303 : i32
          %dma_wait3A_305 = arith.constant 1 : i32
          %dma_wait3A_306 = arith.constant 0 : i32
          %dma_wait3A_307 = arith.constant 0 : i32
          %dma_wait3A_308 = tpu.memref_slice %arg8[%dma_wait3A_305, %dma_wait3A_306, %dma_wait3A_307] : memref<2x400x128xf32, #tpu.memory_space<vmem>> -> memref<1x400x128xf32, #tpu.memory_space<vmem>>
          %dma_wait3A_309 = tpu.memref_squeeze %dma_wait3A_308 : memref<1x400x128xf32, #tpu.memory_space<vmem>> -> memref<400x128xf32, #tpu.memory_space<vmem>>
          %dma_wait3A_310 = arith.constant 0 : i32
          %dma_wait3A_311 = arith.constant 0 : i32
          %dma_wait3A_312 = tpu.memref_slice %dma_wait3A_309[%dma_wait3A_310, %dma_wait3A_311] : memref<400x128xf32, #tpu.memory_space<vmem>> -> memref<200x128xf32, #tpu.memory_space<vmem>>
          %dma_wait3A_313 = arith.constant 0 : i32
          %dma_wait3A_314 = arith.constant 0 : i32
          %dma_wait3A_315 = tpu.memref_slice %arg5[%dma_wait3A_313, %add3A_302, %dma_wait3A_314] : memref<200x1024x128xf32, #tpu.memory_space<hbm>> -> memref<200x1x128xf32, #tpu.memory_space<hbm>>
          %dma_wait3A_316 = tpu.memref_squeeze %dma_wait3A_315 : memref<200x1x128xf32, #tpu.memory_space<hbm>> -> memref<200x128xf32, #tpu.memory_space<hbm>>
          %dma_wait3A_317 = arith.constant 0 : i32
          %dma_wait3A_318 = arith.constant 0 : i32
          %dma_wait3A_319 = tpu.memref_slice %arg5[%dma_wait3A_317, %add3A_302, %dma_wait3A_318] : memref<200x1024x128xf32, #tpu.memory_space<hbm>> -> memref<200x1x128xf32, #tpu.memory_space<hbm>>
          %dma_wait3A_320 = tpu.memref_squeeze %dma_wait3A_319 : memref<200x1x128xf32, #tpu.memory_space<hbm>> -> memref<200x128xf32, #tpu.memory_space<hbm>>
          %dma_wait3A_321 = arith.constant 0 : i32
          %dma_wait3A_322 = arith.constant 0 : i32
          %dma_wait3A_323 = tpu.memref_slice %arg8[%dma_wait3A_305, %dma_wait3A_321, %dma_wait3A_322] : memref<2x400x128xf32, #tpu.memory_space<vmem>> -> memref<1x400x128xf32, #tpu.memory_space<vmem>>
          %dma_wait3A_324 = tpu.memref_squeeze %dma_wait3A_323 : memref<1x400x128xf32, #tpu.memory_space<vmem>> -> memref<400x128xf32, #tpu.memory_space<vmem>>
          %dma_wait3A_325 = arith.constant 0 : i32
          %dma_wait3A_326 = arith.constant 0 : i32
          %dma_wait3A_327 = tpu.memref_slice %dma_wait3A_324[%dma_wait3A_325, %dma_wait3A_326] : memref<400x128xf32, #tpu.memory_space<vmem>> -> memref<200x128xf32, #tpu.memory_space<vmem>>
          tpu.wait_dma2 semaphore(%arg13 : memref<!tpu.dma_semaphore, #tpu.memory_space<semaphore_mem>>) src(%dma_wait3A_327 : memref<200x128xf32, #tpu.memory_space<vmem>>) dst(%dma_wait3A_320 : memref<200x128xf32, #tpu.memory_space<hbm>>)
          %dma_wait3A_328 = arith.constant 1 : i32
          %dma_wait3A_329 = arith.constant 0 : i32
          %dma_wait3A_330 = arith.constant 0 : i32
          %dma_wait3A_331 = tpu.memref_slice %arg8[%dma_wait3A_328, %dma_wait3A_329, %dma_wait3A_330] : memref<2x400x128xf32, #tpu.memory_space<vmem>> -> memref<1x400x128xf32, #tpu.memory_space<vmem>>
          %dma_wait3A_332 = tpu.memref_squeeze %dma_wait3A_331 : memref<1x400x128xf32, #tpu.memory_space<vmem>> -> memref<400x128xf32, #tpu.memory_space<vmem>>
          %dma_wait3A_333 = arith.constant 200 : i32
          %dma_wait3A_334 = arith.constant 0 : i32
          %dma_wait3A_335 = tpu.memref_slice %dma_wait3A_332[%dma_wait3A_333, %dma_wait3A_334] : memref<400x128xf32, #tpu.memory_space<vmem>> -> memref<200x128xf32, #tpu.memory_space<vmem>>
          %dma_wait3A_336 = arith.constant 0 : i32
          %dma_wait3A_337 = arith.constant 0 : i32
          %dma_wait3A_338 = tpu.memref_slice %arg5[%dma_wait3A_336, %add3A_304, %dma_wait3A_337] : memref<200x1024x128xf32, #tpu.memory_space<hbm>> -> memref<200x1x128xf32, #tpu.memory_space<hbm>>
          %dma_wait3A_339 = tpu.memref_squeeze %dma_wait3A_338 : memref<200x1x128xf32, #tpu.memory_space<hbm>> -> memref<200x128xf32, #tpu.memory_space<hbm>>
          %dma_wait3A_340 = arith.constant 0 : i32
          %dma_wait3A_341 = arith.constant 0 : i32
          %dma_wait3A_342 = tpu.memref_slice %arg5[%dma_wait3A_340, %add3A_304, %dma_wait3A_341] : memref<200x1024x128xf32, #tpu.memory_space<hbm>> -> memref<200x1x128xf32, #tpu.memory_space<hbm>>
          %dma_wait3A_343 = tpu.memref_squeeze %dma_wait3A_342 : memref<200x1x128xf32, #tpu.memory_space<hbm>> -> memref<200x128xf32, #tpu.memory_space<hbm>>
          %dma_wait3A_344 = arith.constant 0 : i32
          %dma_wait3A_345 = arith.constant 0 : i32
          %dma_wait3A_346 = tpu.memref_slice %arg8[%dma_wait3A_328, %dma_wait3A_344, %dma_wait3A_345] : memref<2x400x128xf32, #tpu.memory_space<vmem>> -> memref<1x400x128xf32, #tpu.memory_space<vmem>>
          %dma_wait3A_347 = tpu.memref_squeeze %dma_wait3A_346 : memref<1x400x128xf32, #tpu.memory_space<vmem>> -> memref<400x128xf32, #tpu.memory_space<vmem>>
          %dma_wait3A_348 = arith.constant 200 : i32
          %dma_wait3A_349 = arith.constant 0 : i32
          %dma_wait3A_350 = tpu.memref_slice %dma_wait3A_347[%dma_wait3A_348, %dma_wait3A_349] : memref<400x128xf32, #tpu.memory_space<vmem>> -> memref<200x128xf32, #tpu.memory_space<vmem>>
          tpu.wait_dma2 semaphore(%arg13 : memref<!tpu.dma_semaphore, #tpu.memory_space<semaphore_mem>>) src(%dma_wait3A_350 : memref<200x128xf32, #tpu.memory_space<vmem>>) dst(%dma_wait3A_343 : memref<200x128xf32, #tpu.memory_space<hbm>>)
        } else {
        }
        %add3A_284 = arith.constant 1 : i32
        %add3A_285 = arith.addi %mul3A_136, %add3A_284 : i32
        %mul3A_286 = arith.constant 400 : i32
        %mul3A_287 = arith.muli %add3A_285, %mul3A_286 : i32
        %dma_start3A_288 = arith.constant 1 : i32
        %dma_start3A_289 = arith.constant 0 : i32
        %dma_start3A_290 = arith.constant 0 : i32
        %dma_start3A_291 = tpu.memref_slice %arg8[%dma_start3A_288, %dma_start3A_289, %dma_start3A_290] : memref<2x400x128xf32, #tpu.memory_space<vmem>> -> memref<1x400x128xf32, #tpu.memory_space<vmem>>
        %dma_start3A_292 = tpu.memref_squeeze %dma_start3A_291 : memref<1x400x128xf32, #tpu.memory_space<vmem>> -> memref<400x128xf32, #tpu.memory_space<vmem>>
        %dma_start3A_293 = tpu.memref_slice %arg7[%mul3A_287] : memref<6400xi32, #tpu.memory_space<vmem>> -> memref<400xi32, #tpu.memory_space<vmem>>
        %dma_start3A_294 = arith.constant 0 : i32
        %dma_start3A_295 = arith.constant 0 : i32
        %dma_start3A_296 = tpu.memref_slice %arg4[%dma_start3A_294, %dma_start3A_295] : memref<1000000x128xf32, #tpu.memory_space<hbm>> -> memref<1000000x128xf32, #tpu.memory_space<hbm>>
        tpu.enqueue_indirect_dma source(%dma_start3A_296 : memref<1000000x128xf32, #tpu.memory_space<hbm>>) target(%dma_start3A_292 : memref<400x128xf32, #tpu.memory_space<vmem>>) offsets(%dma_start3A_293 : memref<400xi32, #tpu.memory_space<vmem>>) semaphore(%arg11 : memref<!tpu.dma_semaphore, #tpu.memory_space<semaphore_mem>>)
      } else {
      }
      %mul3A_152 = arith.constant 2 : i32
      %mul3A_153 = arith.muli %mul3A_136, %mul3A_152 : i32
      %add3A_154 = arith.addi %mul3A_2, %mul3A_153 : i32
      %add3A_155 = arith.constant 0 : i32
      %add3A_156 = arith.addi %add3A_154, %add3A_155 : i32
      %add3A_157 = arith.constant 1 : i32
      %add3A_158 = arith.addi %add3A_154, %add3A_157 : i32
      %dma_start3A_159 = arith.constant 0 : i32
      %dma_start3A_160 = arith.constant 0 : i32
      %dma_start3A_161 = arith.constant 0 : i32
      %dma_start3A_162 = tpu.memref_slice %arg8[%dma_start3A_159, %dma_start3A_160, %dma_start3A_161] : memref<2x400x128xf32, #tpu.memory_space<vmem>> -> memref<1x400x128xf32, #tpu.memory_space<vmem>>
      %dma_start3A_163 = tpu.memref_squeeze %dma_start3A_162 : memref<1x400x128xf32, #tpu.memory_space<vmem>> -> memref<400x128xf32, #tpu.memory_space<vmem>>
      %dma_start3A_164 = arith.constant 0 : i32
      %dma_start3A_165 = arith.constant 0 : i32
      %dma_start3A_166 = tpu.memref_slice %dma_start3A_163[%dma_start3A_164, %dma_start3A_165] : memref<400x128xf32, #tpu.memory_space<vmem>> -> memref<200x128xf32, #tpu.memory_space<vmem>>
      %dma_start3A_167 = arith.constant 0 : i32
      %dma_start3A_168 = arith.constant 0 : i32
      %dma_start3A_169 = tpu.memref_slice %arg5[%dma_start3A_167, %add3A_156, %dma_start3A_168] : memref<200x1024x128xf32, #tpu.memory_space<hbm>> -> memref<200x1x128xf32, #tpu.memory_space<hbm>>
      %dma_start3A_170 = tpu.memref_squeeze %dma_start3A_169 : memref<200x1x128xf32, #tpu.memory_space<hbm>> -> memref<200x128xf32, #tpu.memory_space<hbm>>
      %dma_start3A_171 = arith.constant 0 : i32
      %dma_start3A_172 = arith.constant 0 : i32
      %dma_start3A_173 = tpu.memref_slice %arg5[%dma_start3A_171, %add3A_156, %dma_start3A_172] : memref<200x1024x128xf32, #tpu.memory_space<hbm>> -> memref<200x1x128xf32, #tpu.memory_space<hbm>>
      %dma_start3A_174 = tpu.memref_squeeze %dma_start3A_173 : memref<200x1x128xf32, #tpu.memory_space<hbm>> -> memref<200x128xf32, #tpu.memory_space<hbm>>
      %dma_start3A_175 = arith.constant 0 : i32
      %dma_start3A_176 = arith.constant 0 : i32
      %dma_start3A_177 = tpu.memref_slice %arg8[%dma_start3A_159, %dma_start3A_175, %dma_start3A_176] : memref<2x400x128xf32, #tpu.memory_space<vmem>> -> memref<1x400x128xf32, #tpu.memory_space<vmem>>
      %dma_start3A_178 = tpu.memref_squeeze %dma_start3A_177 : memref<1x400x128xf32, #tpu.memory_space<vmem>> -> memref<400x128xf32, #tpu.memory_space<vmem>>
      %dma_start3A_179 = arith.constant 0 : i32
      %dma_start3A_180 = arith.constant 0 : i32
      %dma_start3A_181 = tpu.memref_slice %dma_start3A_178[%dma_start3A_179, %dma_start3A_180] : memref<400x128xf32, #tpu.memory_space<vmem>> -> memref<200x128xf32, #tpu.memory_space<vmem>>
      tpu.enqueue_dma source(%dma_start3A_181 : memref<200x128xf32, #tpu.memory_space<vmem>>) target(%dma_start3A_174 : memref<200x128xf32, #tpu.memory_space<hbm>>) target_semaphore(%arg12 : memref<!tpu.dma_semaphore, #tpu.memory_space<semaphore_mem>>)
      %dma_start3A_182 = arith.constant 0 : i32
      %dma_start3A_183 = arith.constant 0 : i32
      %dma_start3A_184 = arith.constant 0 : i32
      %dma_start3A_185 = tpu.memref_slice %arg8[%dma_start3A_182, %dma_start3A_183, %dma_start3A_184] : memref<2x400x128xf32, #tpu.memory_space<vmem>> -> memref<1x400x128xf32, #tpu.memory_space<vmem>>
      %dma_start3A_186 = tpu.memref_squeeze %dma_start3A_185 : memref<1x400x128xf32, #tpu.memory_space<vmem>> -> memref<400x128xf32, #tpu.memory_space<vmem>>
      %dma_start3A_187 = arith.constant 200 : i32
      %dma_start3A_188 = arith.constant 0 : i32
      %dma_start3A_189 = tpu.memref_slice %dma_start3A_186[%dma_start3A_187, %dma_start3A_188] : memref<400x128xf32, #tpu.memory_space<vmem>> -> memref<200x128xf32, #tpu.memory_space<vmem>>
      %dma_start3A_190 = arith.constant 0 : i32
      %dma_start3A_191 = arith.constant 0 : i32
      %dma_start3A_192 = tpu.memref_slice %arg5[%dma_start3A_190, %add3A_158, %dma_start3A_191] : memref<200x1024x128xf32, #tpu.memory_space<hbm>> -> memref<200x1x128xf32, #tpu.memory_space<hbm>>
      %dma_start3A_193 = tpu.memref_squeeze %dma_start3A_192 : memref<200x1x128xf32, #tpu.memory_space<hbm>> -> memref<200x128xf32, #tpu.memory_space<hbm>>
      %dma_start3A_194 = arith.constant 0 : i32
      %dma_start3A_195 = arith.constant 0 : i32
      %dma_start3A_196 = tpu.memref_slice %arg5[%dma_start3A_194, %add3A_158, %dma_start3A_195] : memref<200x1024x128xf32, #tpu.memory_space<hbm>> -> memref<200x1x128xf32, #tpu.memory_space<hbm>>
      %dma_start3A_197 = tpu.memref_squeeze %dma_start3A_196 : memref<200x1x128xf32, #tpu.memory_space<hbm>> -> memref<200x128xf32, #tpu.memory_space<hbm>>
      %dma_start3A_198 = arith.constant 0 : i32
      %dma_start3A_199 = arith.constant 0 : i32
      %dma_start3A_200 = tpu.memref_slice %arg8[%dma_start3A_182, %dma_start3A_198, %dma_start3A_199] : memref<2x400x128xf32, #tpu.memory_space<vmem>> -> memref<1x400x128xf32, #tpu.memory_space<vmem>>
      %dma_start3A_201 = tpu.memref_squeeze %dma_start3A_200 : memref<1x400x128xf32, #tpu.memory_space<vmem>> -> memref<400x128xf32, #tpu.memory_space<vmem>>
      %dma_start3A_202 = arith.constant 200 : i32
      %dma_start3A_203 = arith.constant 0 : i32
      %dma_start3A_204 = tpu.memref_slice %dma_start3A_201[%dma_start3A_202, %dma_start3A_203] : memref<400x128xf32, #tpu.memory_space<vmem>> -> memref<200x128xf32, #tpu.memory_space<vmem>>
      tpu.enqueue_dma source(%dma_start3A_204 : memref<200x128xf32, #tpu.memory_space<vmem>>) target(%dma_start3A_197 : memref<200x128xf32, #tpu.memory_space<hbm>>) target_semaphore(%arg12 : memref<!tpu.dma_semaphore, #tpu.memory_space<semaphore_mem>>)
      %mul3A_205 = arith.constant 2 : i32
      %mul3A_206 = arith.muli %mul3A_205, %scan3A_134 : i32
      %add3A_207 = arith.constant 1 : i32
      %add3A_208 = arith.addi %mul3A_206, %add3A_207 : i32
      %mul3A_209 = arith.constant 400 : i32
      %mul3A_210 = arith.muli %add3A_208, %mul3A_209 : i32
      %dma_wait3A_211 = arith.constant 1 : i32
      %dma_wait3A_212 = arith.constant 0 : i32
      %dma_wait3A_213 = arith.constant 0 : i32
      %dma_wait3A_214 = tpu.memref_slice %arg8[%dma_wait3A_211, %dma_wait3A_212, %dma_wait3A_213] : memref<2x400x128xf32, #tpu.memory_space<vmem>> -> memref<1x400x128xf32, #tpu.memory_space<vmem>>
      %dma_wait3A_215 = tpu.memref_squeeze %dma_wait3A_214 : memref<1x400x128xf32, #tpu.memory_space<vmem>> -> memref<400x128xf32, #tpu.memory_space<vmem>>
      %dma_wait3A_216 = tpu.memref_slice %arg7[%mul3A_210] : memref<6400xi32, #tpu.memory_space<vmem>> -> memref<400xi32, #tpu.memory_space<vmem>>
      %dma_wait3A_217 = arith.constant 0 : i32
      %dma_wait3A_218 = arith.constant 0 : i32
      %dma_wait3A_219 = tpu.memref_slice %arg4[%dma_wait3A_217, %dma_wait3A_218] : memref<1000000x128xf32, #tpu.memory_space<hbm>> -> memref<1000000x128xf32, #tpu.memory_space<hbm>>
      tpu.wait_indirect_dma semaphore(%arg11 : memref<!tpu.dma_semaphore, #tpu.memory_space<semaphore_mem>>) src(%dma_wait3A_219 : memref<1000000x128xf32, #tpu.memory_space<hbm>>) dst(%dma_wait3A_215 : memref<400x128xf32, #tpu.memory_space<vmem>>)
      %add3A_220 = arith.constant 1 : i32
      %add3A_221 = arith.addi %add3A_208, %add3A_220 : i32
      %lt3A_222 = arith.constant 16 : i32
      %lt3A_223 = arith.cmpi slt, %add3A_221, %lt3A_222 : i32
      %convert_element_type3A_224 = arith.extui %lt3A_223 : i1 to i32
      %cond3A_225 = arith.constant 0 : i32
      %cond3A_226 = arith.cmpi ne, %convert_element_type3A_224, %cond3A_225 : i32
      scf.if %cond3A_226 {
        %ge3A = arith.constant 1 : i32
        %ge3A_280 = arith.cmpi sge, %add3A_208, %ge3A : i32
        %convert_element_type3A_281 = arith.extui %ge3A_280 : i1 to i32
        %cond3A_282 = arith.constant 0 : i32
        %cond3A_283 = arith.cmpi ne, %convert_element_type3A_281, %cond3A_282 : i32
        scf.if %cond3A_283 {
          %sub3A = arith.constant 1 : i32
          %sub3A_297 = arith.subi %add3A_208, %sub3A : i32
          %mul3A_298 = arith.constant 2 : i32
          %mul3A_299 = arith.muli %sub3A_297, %mul3A_298 : i32
          %add3A_300 = arith.addi %mul3A_2, %mul3A_299 : i32
          %add3A_301 = arith.constant 0 : i32
          %add3A_302 = arith.addi %add3A_300, %add3A_301 : i32
          %add3A_303 = arith.constant 1 : i32
          %add3A_304 = arith.addi %add3A_300, %add3A_303 : i32
          %dma_wait3A_305 = arith.constant 0 : i32
          %dma_wait3A_306 = arith.constant 0 : i32
          %dma_wait3A_307 = arith.constant 0 : i32
          %dma_wait3A_308 = tpu.memref_slice %arg8[%dma_wait3A_305, %dma_wait3A_306, %dma_wait3A_307] : memref<2x400x128xf32, #tpu.memory_space<vmem>> -> memref<1x400x128xf32, #tpu.memory_space<vmem>>
          %dma_wait3A_309 = tpu.memref_squeeze %dma_wait3A_308 : memref<1x400x128xf32, #tpu.memory_space<vmem>> -> memref<400x128xf32, #tpu.memory_space<vmem>>
          %dma_wait3A_310 = arith.constant 0 : i32
          %dma_wait3A_311 = arith.constant 0 : i32
          %dma_wait3A_312 = tpu.memref_slice %dma_wait3A_309[%dma_wait3A_310, %dma_wait3A_311] : memref<400x128xf32, #tpu.memory_space<vmem>> -> memref<200x128xf32, #tpu.memory_space<vmem>>
          %dma_wait3A_313 = arith.constant 0 : i32
          %dma_wait3A_314 = arith.constant 0 : i32
          %dma_wait3A_315 = tpu.memref_slice %arg5[%dma_wait3A_313, %add3A_302, %dma_wait3A_314] : memref<200x1024x128xf32, #tpu.memory_space<hbm>> -> memref<200x1x128xf32, #tpu.memory_space<hbm>>
          %dma_wait3A_316 = tpu.memref_squeeze %dma_wait3A_315 : memref<200x1x128xf32, #tpu.memory_space<hbm>> -> memref<200x128xf32, #tpu.memory_space<hbm>>
          %dma_wait3A_317 = arith.constant 0 : i32
          %dma_wait3A_318 = arith.constant 0 : i32
          %dma_wait3A_319 = tpu.memref_slice %arg5[%dma_wait3A_317, %add3A_302, %dma_wait3A_318] : memref<200x1024x128xf32, #tpu.memory_space<hbm>> -> memref<200x1x128xf32, #tpu.memory_space<hbm>>
          %dma_wait3A_320 = tpu.memref_squeeze %dma_wait3A_319 : memref<200x1x128xf32, #tpu.memory_space<hbm>> -> memref<200x128xf32, #tpu.memory_space<hbm>>
          %dma_wait3A_321 = arith.constant 0 : i32
          %dma_wait3A_322 = arith.constant 0 : i32
          %dma_wait3A_323 = tpu.memref_slice %arg8[%dma_wait3A_305, %dma_wait3A_321, %dma_wait3A_322] : memref<2x400x128xf32, #tpu.memory_space<vmem>> -> memref<1x400x128xf32, #tpu.memory_space<vmem>>
          %dma_wait3A_324 = tpu.memref_squeeze %dma_wait3A_323 : memref<1x400x128xf32, #tpu.memory_space<vmem>> -> memref<400x128xf32, #tpu.memory_space<vmem>>
          %dma_wait3A_325 = arith.constant 0 : i32
          %dma_wait3A_326 = arith.constant 0 : i32
          %dma_wait3A_327 = tpu.memref_slice %dma_wait3A_324[%dma_wait3A_325, %dma_wait3A_326] : memref<400x128xf32, #tpu.memory_space<vmem>> -> memref<200x128xf32, #tpu.memory_space<vmem>>
          tpu.wait_dma2 semaphore(%arg12 : memref<!tpu.dma_semaphore, #tpu.memory_space<semaphore_mem>>) src(%dma_wait3A_327 : memref<200x128xf32, #tpu.memory_space<vmem>>) dst(%dma_wait3A_320 : memref<200x128xf32, #tpu.memory_space<hbm>>)
          %dma_wait3A_328 = arith.constant 0 : i32
          %dma_wait3A_329 = arith.constant 0 : i32
          %dma_wait3A_330 = arith.constant 0 : i32
          %dma_wait3A_331 = tpu.memref_slice %arg8[%dma_wait3A_328, %dma_wait3A_329, %dma_wait3A_330] : memref<2x400x128xf32, #tpu.memory_space<vmem>> -> memref<1x400x128xf32, #tpu.memory_space<vmem>>
          %dma_wait3A_332 = tpu.memref_squeeze %dma_wait3A_331 : memref<1x400x128xf32, #tpu.memory_space<vmem>> -> memref<400x128xf32, #tpu.memory_space<vmem>>
          %dma_wait3A_333 = arith.constant 200 : i32
          %dma_wait3A_334 = arith.constant 0 : i32
          %dma_wait3A_335 = tpu.memref_slice %dma_wait3A_332[%dma_wait3A_333, %dma_wait3A_334] : memref<400x128xf32, #tpu.memory_space<vmem>> -> memref<200x128xf32, #tpu.memory_space<vmem>>
          %dma_wait3A_336 = arith.constant 0 : i32
          %dma_wait3A_337 = arith.constant 0 : i32
          %dma_wait3A_338 = tpu.memref_slice %arg5[%dma_wait3A_336, %add3A_304, %dma_wait3A_337] : memref<200x1024x128xf32, #tpu.memory_space<hbm>> -> memref<200x1x128xf32, #tpu.memory_space<hbm>>
          %dma_wait3A_339 = tpu.memref_squeeze %dma_wait3A_338 : memref<200x1x128xf32, #tpu.memory_space<hbm>> -> memref<200x128xf32, #tpu.memory_space<hbm>>
          %dma_wait3A_340 = arith.constant 0 : i32
          %dma_wait3A_341 = arith.constant 0 : i32
          %dma_wait3A_342 = tpu.memref_slice %arg5[%dma_wait3A_340, %add3A_304, %dma_wait3A_341] : memref<200x1024x128xf32, #tpu.memory_space<hbm>> -> memref<200x1x128xf32, #tpu.memory_space<hbm>>
          %dma_wait3A_343 = tpu.memref_squeeze %dma_wait3A_342 : memref<200x1x128xf32, #tpu.memory_space<hbm>> -> memref<200x128xf32, #tpu.memory_space<hbm>>
          %dma_wait3A_344 = arith.constant 0 : i32
          %dma_wait3A_345 = arith.constant 0 : i32
          %dma_wait3A_346 = tpu.memref_slice %arg8[%dma_wait3A_328, %dma_wait3A_344, %dma_wait3A_345] : memref<2x400x128xf32, #tpu.memory_space<vmem>> -> memref<1x400x128xf32, #tpu.memory_space<vmem>>
          %dma_wait3A_347 = tpu.memref_squeeze %dma_wait3A_346 : memref<1x400x128xf32, #tpu.memory_space<vmem>> -> memref<400x128xf32, #tpu.memory_space<vmem>>
          %dma_wait3A_348 = arith.constant 200 : i32
          %dma_wait3A_349 = arith.constant 0 : i32
          %dma_wait3A_350 = tpu.memref_slice %dma_wait3A_347[%dma_wait3A_348, %dma_wait3A_349] : memref<400x128xf32, #tpu.memory_space<vmem>> -> memref<200x128xf32, #tpu.memory_space<vmem>>
          tpu.wait_dma2 semaphore(%arg12 : memref<!tpu.dma_semaphore, #tpu.memory_space<semaphore_mem>>) src(%dma_wait3A_350 : memref<200x128xf32, #tpu.memory_space<vmem>>) dst(%dma_wait3A_343 : memref<200x128xf32, #tpu.memory_space<hbm>>)
        } else {
        }
        %add3A_284 = arith.constant 1 : i32
        %add3A_285 = arith.addi %add3A_208, %add3A_284 : i32
        %mul3A_286 = arith.constant 400 : i32
        %mul3A_287 = arith.muli %add3A_285, %mul3A_286 : i32
        %dma_start3A_288 = arith.constant 0 : i32
        %dma_start3A_289 = arith.constant 0 : i32
        %dma_start3A_290 = arith.constant 0 : i32
        %dma_start3A_291 = tpu.memref_slice %arg8[%dma_start3A_288, %dma_start3A_289, %dma_start3A_290] : memref<2x400x128xf32, #tpu.memory_space<vmem>> -> memref<1x400x128xf32, #tpu.memory_space<vmem>>
        %dma_start3A_292 = tpu.memref_squeeze %dma_start3A_291 : memref<1x400x128xf32, #tpu.memory_space<vmem>> -> memref<400x128xf32, #tpu.memory_space<vmem>>
        %dma_start3A_293 = tpu.memref_slice %arg7[%mul3A_287] : memref<6400xi32, #tpu.memory_space<vmem>> -> memref<400xi32, #tpu.memory_space<vmem>>
        %dma_start3A_294 = arith.constant 0 : i32
        %dma_start3A_295 = arith.constant 0 : i32
        %dma_start3A_296 = tpu.memref_slice %arg4[%dma_start3A_294, %dma_start3A_295] : memref<1000000x128xf32, #tpu.memory_space<hbm>> -> memref<1000000x128xf32, #tpu.memory_space<hbm>>
        tpu.enqueue_indirect_dma source(%dma_start3A_296 : memref<1000000x128xf32, #tpu.memory_space<hbm>>) target(%dma_start3A_292 : memref<400x128xf32, #tpu.memory_space<vmem>>) offsets(%dma_start3A_293 : memref<400xi32, #tpu.memory_space<vmem>>) semaphore(%arg10 : memref<!tpu.dma_semaphore, #tpu.memory_space<semaphore_mem>>)
      } else {
      }
      %mul3A_227 = arith.constant 2 : i32
      %mul3A_228 = arith.muli %add3A_208, %mul3A_227 : i32
      %add3A_229 = arith.addi %mul3A_2, %mul3A_228 : i32
      %add3A_230 = arith.constant 0 : i32
      %add3A_231 = arith.addi %add3A_229, %add3A_230 : i32
      %add3A_232 = arith.constant 1 : i32
      %add3A_233 = arith.addi %add3A_229, %add3A_232 : i32
      %dma_start3A_234 = arith.constant 1 : i32
      %dma_start3A_235 = arith.constant 0 : i32
      %dma_start3A_236 = arith.constant 0 : i32
      %dma_start3A_237 = tpu.memref_slice %arg8[%dma_start3A_234, %dma_start3A_235, %dma_start3A_236] : memref<2x400x128xf32, #tpu.memory_space<vmem>> -> memref<1x400x128xf32, #tpu.memory_space<vmem>>
      %dma_start3A_238 = tpu.memref_squeeze %dma_start3A_237 : memref<1x400x128xf32, #tpu.memory_space<vmem>> -> memref<400x128xf32, #tpu.memory_space<vmem>>
      %dma_start3A_239 = arith.constant 0 : i32
      %dma_start3A_240 = arith.constant 0 : i32
      %dma_start3A_241 = tpu.memref_slice %dma_start3A_238[%dma_start3A_239, %dma_start3A_240] : memref<400x128xf32, #tpu.memory_space<vmem>> -> memref<200x128xf32, #tpu.memory_space<vmem>>
      %dma_start3A_242 = arith.constant 0 : i32
      %dma_start3A_243 = arith.constant 0 : i32
      %dma_start3A_244 = tpu.memref_slice %arg5[%dma_start3A_242, %add3A_231, %dma_start3A_243] : memref<200x1024x128xf32, #tpu.memory_space<hbm>> -> memref<200x1x128xf32, #tpu.memory_space<hbm>>
      %dma_start3A_245 = tpu.memref_squeeze %dma_start3A_244 : memref<200x1x128xf32, #tpu.memory_space<hbm>> -> memref<200x128xf32, #tpu.memory_space<hbm>>
      %dma_start3A_246 = arith.constant 0 : i32
      %dma_start3A_247 = arith.constant 0 : i32
      %dma_start3A_248 = tpu.memref_slice %arg5[%dma_start3A_246, %add3A_231, %dma_start3A_247] : memref<200x1024x128xf32, #tpu.memory_space<hbm>> -> memref<200x1x128xf32, #tpu.memory_space<hbm>>
      %dma_start3A_249 = tpu.memref_squeeze %dma_start3A_248 : memref<200x1x128xf32, #tpu.memory_space<hbm>> -> memref<200x128xf32, #tpu.memory_space<hbm>>
      %dma_start3A_250 = arith.constant 0 : i32
      %dma_start3A_251 = arith.constant 0 : i32
      %dma_start3A_252 = tpu.memref_slice %arg8[%dma_start3A_234, %dma_start3A_250, %dma_start3A_251] : memref<2x400x128xf32, #tpu.memory_space<vmem>> -> memref<1x400x128xf32, #tpu.memory_space<vmem>>
      %dma_start3A_253 = tpu.memref_squeeze %dma_start3A_252 : memref<1x400x128xf32, #tpu.memory_space<vmem>> -> memref<400x128xf32, #tpu.memory_space<vmem>>
      %dma_start3A_254 = arith.constant 0 : i32
      %dma_start3A_255 = arith.constant 0 : i32
      %dma_start3A_256 = tpu.memref_slice %dma_start3A_253[%dma_start3A_254, %dma_start3A_255] : memref<400x128xf32, #tpu.memory_space<vmem>> -> memref<200x128xf32, #tpu.memory_space<vmem>>
      tpu.enqueue_dma source(%dma_start3A_256 : memref<200x128xf32, #tpu.memory_space<vmem>>) target(%dma_start3A_249 : memref<200x128xf32, #tpu.memory_space<hbm>>) target_semaphore(%arg13 : memref<!tpu.dma_semaphore, #tpu.memory_space<semaphore_mem>>)
      %dma_start3A_257 = arith.constant 1 : i32
      %dma_start3A_258 = arith.constant 0 : i32
      %dma_start3A_259 = arith.constant 0 : i32
      %dma_start3A_260 = tpu.memref_slice %arg8[%dma_start3A_257, %dma_start3A_258, %dma_start3A_259] : memref<2x400x128xf32, #tpu.memory_space<vmem>> -> memref<1x400x128xf32, #tpu.memory_space<vmem>>
      %dma_start3A_261 = tpu.memref_squeeze %dma_start3A_260 : memref<1x400x128xf32, #tpu.memory_space<vmem>> -> memref<400x128xf32, #tpu.memory_space<vmem>>
      %dma_start3A_262 = arith.constant 200 : i32
      %dma_start3A_263 = arith.constant 0 : i32
      %dma_start3A_264 = tpu.memref_slice %dma_start3A_261[%dma_start3A_262, %dma_start3A_263] : memref<400x128xf32, #tpu.memory_space<vmem>> -> memref<200x128xf32, #tpu.memory_space<vmem>>
      %dma_start3A_265 = arith.constant 0 : i32
      %dma_start3A_266 = arith.constant 0 : i32
      %dma_start3A_267 = tpu.memref_slice %arg5[%dma_start3A_265, %add3A_233, %dma_start3A_266] : memref<200x1024x128xf32, #tpu.memory_space<hbm>> -> memref<200x1x128xf32, #tpu.memory_space<hbm>>
      %dma_start3A_268 = tpu.memref_squeeze %dma_start3A_267 : memref<200x1x128xf32, #tpu.memory_space<hbm>> -> memref<200x128xf32, #tpu.memory_space<hbm>>
      %dma_start3A_269 = arith.constant 0 : i32
      %dma_start3A_270 = arith.constant 0 : i32
      %dma_start3A_271 = tpu.memref_slice %arg5[%dma_start3A_269, %add3A_233, %dma_start3A_270] : memref<200x1024x128xf32, #tpu.memory_space<hbm>> -> memref<200x1x128xf32, #tpu.memory_space<hbm>>
      %dma_start3A_272 = tpu.memref_squeeze %dma_start3A_271 : memref<200x1x128xf32, #tpu.memory_space<hbm>> -> memref<200x128xf32, #tpu.memory_space<hbm>>
      %dma_start3A_273 = arith.constant 0 : i32
      %dma_start3A_274 = arith.constant 0 : i32
      %dma_start3A_275 = tpu.memref_slice %arg8[%dma_start3A_257, %dma_start3A_273, %dma_start3A_274] : memref<2x400x128xf32, #tpu.memory_space<vmem>> -> memref<1x400x128xf32, #tpu.memory_space<vmem>>
      %dma_start3A_276 = tpu.memref_squeeze %dma_start3A_275 : memref<1x400x128xf32, #tpu.memory_space<vmem>> -> memref<400x128xf32, #tpu.memory_space<vmem>>
      %dma_start3A_277 = arith.constant 200 : i32
      %dma_start3A_278 = arith.constant 0 : i32
      %dma_start3A_279 = tpu.memref_slice %dma_start3A_276[%dma_start3A_277, %dma_start3A_278] : memref<400x128xf32, #tpu.memory_space<vmem>> -> memref<200x128xf32, #tpu.memory_space<vmem>>
      tpu.enqueue_dma source(%dma_start3A_279 : memref<200x128xf32, #tpu.memory_space<vmem>>) target(%dma_start3A_272 : memref<200x128xf32, #tpu.memory_space<hbm>>) target_semaphore(%arg13 : memref<!tpu.dma_semaphore, #tpu.memory_space<semaphore_mem>>)
    }
    %scan3A_30 = arith.constant 8 : i32
    %add3A_31 = arith.constant 28 : i32
    %add3A_32 = arith.addi %mul3A_2, %add3A_31 : i32
    %add3A_33 = arith.constant 0 : i32
    %add3A_34 = arith.addi %add3A_32, %add3A_33 : i32
    %add3A_35 = arith.constant 1 : i32
    %add3A_36 = arith.addi %add3A_32, %add3A_35 : i32
    %dma_wait3A = arith.constant 0 : i32
    %dma_wait3A_37 = arith.constant 0 : i32
    %dma_wait3A_38 = arith.constant 0 : i32
    %dma_wait3A_39 = tpu.memref_slice %arg8[%dma_wait3A, %dma_wait3A_37, %dma_wait3A_38] : memref<2x400x128xf32, #tpu.memory_space<vmem>> -> memref<1x400x128xf32, #tpu.memory_space<vmem>>
    %dma_wait3A_40 = tpu.memref_squeeze %dma_wait3A_39 : memref<1x400x128xf32, #tpu.memory_space<vmem>> -> memref<400x128xf32, #tpu.memory_space<vmem>>
    %dma_wait3A_41 = arith.constant 0 : i32
    %dma_wait3A_42 = arith.constant 0 : i32
    %dma_wait3A_43 = tpu.memref_slice %dma_wait3A_40[%dma_wait3A_41, %dma_wait3A_42] : memref<400x128xf32, #tpu.memory_space<vmem>> -> memref<200x128xf32, #tpu.memory_space<vmem>>
    %dma_wait3A_44 = arith.constant 0 : i32
    %dma_wait3A_45 = arith.constant 0 : i32
    %dma_wait3A_46 = tpu.memref_slice %arg5[%dma_wait3A_44, %add3A_34, %dma_wait3A_45] : memref<200x1024x128xf32, #tpu.memory_space<hbm>> -> memref<200x1x128xf32, #tpu.memory_space<hbm>>
    %dma_wait3A_47 = tpu.memref_squeeze %dma_wait3A_46 : memref<200x1x128xf32, #tpu.memory_space<hbm>> -> memref<200x128xf32, #tpu.memory_space<hbm>>
    %dma_wait3A_48 = arith.constant 0 : i32
    %dma_wait3A_49 = arith.constant 0 : i32
    %dma_wait3A_50 = tpu.memref_slice %arg5[%dma_wait3A_48, %add3A_34, %dma_wait3A_49] : memref<200x1024x128xf32, #tpu.memory_space<hbm>> -> memref<200x1x128xf32, #tpu.memory_space<hbm>>
    %dma_wait3A_51 = tpu.memref_squeeze %dma_wait3A_50 : memref<200x1x128xf32, #tpu.memory_space<hbm>> -> memref<200x128xf32, #tpu.memory_space<hbm>>
    %dma_wait3A_52 = arith.constant 0 : i32
    %dma_wait3A_53 = arith.constant 0 : i32
    %dma_wait3A_54 = tpu.memref_slice %arg8[%dma_wait3A, %dma_wait3A_52, %dma_wait3A_53] : memref<2x400x128xf32, #tpu.memory_space<vmem>> -> memref<1x400x128xf32, #tpu.memory_space<vmem>>
    %dma_wait3A_55 = tpu.memref_squeeze %dma_wait3A_54 : memref<1x400x128xf32, #tpu.memory_space<vmem>> -> memref<400x128xf32, #tpu.memory_space<vmem>>
    %dma_wait3A_56 = arith.constant 0 : i32
    %dma_wait3A_57 = arith.constant 0 : i32
    %dma_wait3A_58 = tpu.memref_slice %dma_wait3A_55[%dma_wait3A_56, %dma_wait3A_57] : memref<400x128xf32, #tpu.memory_space<vmem>> -> memref<200x128xf32, #tpu.memory_space<vmem>>
    tpu.wait_dma2 semaphore(%arg12 : memref<!tpu.dma_semaphore, #tpu.memory_space<semaphore_mem>>) src(%dma_wait3A_58 : memref<200x128xf32, #tpu.memory_space<vmem>>) dst(%dma_wait3A_51 : memref<200x128xf32, #tpu.memory_space<hbm>>)
    %dma_wait3A_59 = arith.constant 0 : i32
    %dma_wait3A_60 = arith.constant 0 : i32
    %dma_wait3A_61 = arith.constant 0 : i32
    %dma_wait3A_62 = tpu.memref_slice %arg8[%dma_wait3A_59, %dma_wait3A_60, %dma_wait3A_61] : memref<2x400x128xf32, #tpu.memory_space<vmem>> -> memref<1x400x128xf32, #tpu.memory_space<vmem>>
    %dma_wait3A_63 = tpu.memref_squeeze %dma_wait3A_62 : memref<1x400x128xf32, #tpu.memory_space<vmem>> -> memref<400x128xf32, #tpu.memory_space<vmem>>
    %dma_wait3A_64 = arith.constant 200 : i32
    %dma_wait3A_65 = arith.constant 0 : i32
    %dma_wait3A_66 = tpu.memref_slice %dma_wait3A_63[%dma_wait3A_64, %dma_wait3A_65] : memref<400x128xf32, #tpu.memory_space<vmem>> -> memref<200x128xf32, #tpu.memory_space<vmem>>
    %dma_wait3A_67 = arith.constant 0 : i32
    %dma_wait3A_68 = arith.constant 0 : i32
    %dma_wait3A_69 = tpu.memref_slice %arg5[%dma_wait3A_67, %add3A_36, %dma_wait3A_68] : memref<200x1024x128xf32, #tpu.memory_space<hbm>> -> memref<200x1x128xf32, #tpu.memory_space<hbm>>
    %dma_wait3A_70 = tpu.memref_squeeze %dma_wait3A_69 : memref<200x1x128xf32, #tpu.memory_space<hbm>> -> memref<200x128xf32, #tpu.memory_space<hbm>>
    %dma_wait3A_71 = arith.constant 0 : i32
    %dma_wait3A_72 = arith.constant 0 : i32
    %dma_wait3A_73 = tpu.memref_slice %arg5[%dma_wait3A_71, %add3A_36, %dma_wait3A_72] : memref<200x1024x128xf32, #tpu.memory_space<hbm>> -> memref<200x1x128xf32, #tpu.memory_space<hbm>>
    %dma_wait3A_74 = tpu.memref_squeeze %dma_wait3A_73 : memref<200x1x128xf32, #tpu.memory_space<hbm>> -> memref<200x128xf32, #tpu.memory_space<hbm>>
    %dma_wait3A_75 = arith.constant 0 : i32
    %dma_wait3A_76 = arith.constant 0 : i32
    %dma_wait3A_77 = tpu.memref_slice %arg8[%dma_wait3A_59, %dma_wait3A_75, %dma_wait3A_76] : memref<2x400x128xf32, #tpu.memory_space<vmem>> -> memref<1x400x128xf32, #tpu.memory_space<vmem>>
    %dma_wait3A_78 = tpu.memref_squeeze %dma_wait3A_77 : memref<1x400x128xf32, #tpu.memory_space<vmem>> -> memref<400x128xf32, #tpu.memory_space<vmem>>
    %dma_wait3A_79 = arith.constant 200 : i32
    %dma_wait3A_80 = arith.constant 0 : i32
    %dma_wait3A_81 = tpu.memref_slice %dma_wait3A_78[%dma_wait3A_79, %dma_wait3A_80] : memref<400x128xf32, #tpu.memory_space<vmem>> -> memref<200x128xf32, #tpu.memory_space<vmem>>
    tpu.wait_dma2 semaphore(%arg12 : memref<!tpu.dma_semaphore, #tpu.memory_space<semaphore_mem>>) src(%dma_wait3A_81 : memref<200x128xf32, #tpu.memory_space<vmem>>) dst(%dma_wait3A_74 : memref<200x128xf32, #tpu.memory_space<hbm>>)
    %add3A_82 = arith.constant 30 : i32
    %add3A_83 = arith.addi %mul3A_2, %add3A_82 : i32
    %add3A_84 = arith.constant 0 : i32
    %add3A_85 = arith.addi %add3A_83, %add3A_84 : i32
    %add3A_86 = arith.constant 1 : i32
    %add3A_87 = arith.addi %add3A_83, %add3A_86 : i32
    %dma_wait3A_88 = arith.constant 1 : i32
    %dma_wait3A_89 = arith.constant 0 : i32
    %dma_wait3A_90 = arith.constant 0 : i32
    %dma_wait3A_91 = tpu.memref_slice %arg8[%dma_wait3A_88, %dma_wait3A_89, %dma_wait3A_90] : memref<2x400x128xf32, #tpu.memory_space<vmem>> -> memref<1x400x128xf32, #tpu.memory_space<vmem>>
    %dma_wait3A_92 = tpu.memref_squeeze %dma_wait3A_91 : memref<1x400x128xf32, #tpu.memory_space<vmem>> -> memref<400x128xf32, #tpu.memory_space<vmem>>
    %dma_wait3A_93 = arith.constant 0 : i32
    %dma_wait3A_94 = arith.constant 0 : i32
    %dma_wait3A_95 = tpu.memref_slice %dma_wait3A_92[%dma_wait3A_93, %dma_wait3A_94] : memref<400x128xf32, #tpu.memory_space<vmem>> -> memref<200x128xf32, #tpu.memory_space<vmem>>
    %dma_wait3A_96 = arith.constant 0 : i32
    %dma_wait3A_97 = arith.constant 0 : i32
    %dma_wait3A_98 = tpu.memref_slice %arg5[%dma_wait3A_96, %add3A_85, %dma_wait3A_97] : memref<200x1024x128xf32, #tpu.memory_space<hbm>> -> memref<200x1x128xf32, #tpu.memory_space<hbm>>
    %dma_wait3A_99 = tpu.memref_squeeze %dma_wait3A_98 : memref<200x1x128xf32, #tpu.memory_space<hbm>> -> memref<200x128xf32, #tpu.memory_space<hbm>>
    %dma_wait3A_100 = arith.constant 0 : i32
    %dma_wait3A_101 = arith.constant 0 : i32
    %dma_wait3A_102 = tpu.memref_slice %arg5[%dma_wait3A_100, %add3A_85, %dma_wait3A_101] : memref<200x1024x128xf32, #tpu.memory_space<hbm>> -> memref<200x1x128xf32, #tpu.memory_space<hbm>>
    %dma_wait3A_103 = tpu.memref_squeeze %dma_wait3A_102 : memref<200x1x128xf32, #tpu.memory_space<hbm>> -> memref<200x128xf32, #tpu.memory_space<hbm>>
    %dma_wait3A_104 = arith.constant 0 : i32
    %dma_wait3A_105 = arith.constant 0 : i32
    %dma_wait3A_106 = tpu.memref_slice %arg8[%dma_wait3A_88, %dma_wait3A_104, %dma_wait3A_105] : memref<2x400x128xf32, #tpu.memory_space<vmem>> -> memref<1x400x128xf32, #tpu.memory_space<vmem>>
    %dma_wait3A_107 = tpu.memref_squeeze %dma_wait3A_106 : memref<1x400x128xf32, #tpu.memory_space<vmem>> -> memref<400x128xf32, #tpu.memory_space<vmem>>
    %dma_wait3A_108 = arith.constant 0 : i32
    %dma_wait3A_109 = arith.constant 0 : i32
    %dma_wait3A_110 = tpu.memref_slice %dma_wait3A_107[%dma_wait3A_108, %dma_wait3A_109] : memref<400x128xf32, #tpu.memory_space<vmem>> -> memref<200x128xf32, #tpu.memory_space<vmem>>
    tpu.wait_dma2 semaphore(%arg13 : memref<!tpu.dma_semaphore, #tpu.memory_space<semaphore_mem>>) src(%dma_wait3A_110 : memref<200x128xf32, #tpu.memory_space<vmem>>) dst(%dma_wait3A_103 : memref<200x128xf32, #tpu.memory_space<hbm>>)
    %dma_wait3A_111 = arith.constant 1 : i32
    %dma_wait3A_112 = arith.constant 0 : i32
    %dma_wait3A_113 = arith.constant 0 : i32
    %dma_wait3A_114 = tpu.memref_slice %arg8[%dma_wait3A_111, %dma_wait3A_112, %dma_wait3A_113] : memref<2x400x128xf32, #tpu.memory_space<vmem>> -> memref<1x400x128xf32, #tpu.memory_space<vmem>>
    %dma_wait3A_115 = tpu.memref_squeeze %dma_wait3A_114 : memref<1x400x128xf32, #tpu.memory_space<vmem>> -> memref<400x128xf32, #tpu.memory_space<vmem>>
    %dma_wait3A_116 = arith.constant 200 : i32
    %dma_wait3A_117 = arith.constant 0 : i32
    %dma_wait3A_118 = tpu.memref_slice %dma_wait3A_115[%dma_wait3A_116, %dma_wait3A_117] : memref<400x128xf32, #tpu.memory_space<vmem>> -> memref<200x128xf32, #tpu.memory_space<vmem>>
    %dma_wait3A_119 = arith.constant 0 : i32
    %dma_wait3A_120 = arith.constant 0 : i32
    %dma_wait3A_121 = tpu.memref_slice %arg5[%dma_wait3A_119, %add3A_87, %dma_wait3A_120] : memref<200x1024x128xf32, #tpu.memory_space<hbm>> -> memref<200x1x128xf32, #tpu.memory_space<hbm>>
    %dma_wait3A_122 = tpu.memref_squeeze %dma_wait3A_121 : memref<200x1x128xf32, #tpu.memory_space<hbm>> -> memref<200x128xf32, #tpu.memory_space<hbm>>
    %dma_wait3A_123 = arith.constant 0 : i32
    %dma_wait3A_124 = arith.constant 0 : i32
    %dma_wait3A_125 = tpu.memref_slice %arg5[%dma_wait3A_123, %add3A_87, %dma_wait3A_124] : memref<200x1024x128xf32, #tpu.memory_space<hbm>> -> memref<200x1x128xf32, #tpu.memory_space<hbm>>
    %dma_wait3A_126 = tpu.memref_squeeze %dma_wait3A_125 : memref<200x1x128xf32, #tpu.memory_space<hbm>> -> memref<200x128xf32, #tpu.memory_space<hbm>>
    %dma_wait3A_127 = arith.constant 0 : i32
    %dma_wait3A_128 = arith.constant 0 : i32
    %dma_wait3A_129 = tpu.memref_slice %arg8[%dma_wait3A_111, %dma_wait3A_127, %dma_wait3A_128] : memref<2x400x128xf32, #tpu.memory_space<vmem>> -> memref<1x400x128xf32, #tpu.memory_space<vmem>>
    %dma_wait3A_130 = tpu.memref_squeeze %dma_wait3A_129 : memref<1x400x128xf32, #tpu.memory_space<vmem>> -> memref<400x128xf32, #tpu.memory_space<vmem>>
    %dma_wait3A_131 = arith.constant 200 : i32
    %dma_wait3A_132 = arith.constant 0 : i32
    %dma_wait3A_133 = tpu.memref_slice %dma_wait3A_130[%dma_wait3A_131, %dma_wait3A_132] : memref<400x128xf32, #tpu.memory_space<vmem>> -> memref<200x128xf32, #tpu.memory_space<vmem>>
    tpu.wait_dma2 semaphore(%arg13 : memref<!tpu.dma_semaphore, #tpu.memory_space<semaphore_mem>>) src(%dma_wait3A_133 : memref<200x128xf32, #tpu.memory_space<vmem>>) dst(%dma_wait3A_126 : memref<200x128xf32, #tpu.memory_space<hbm>>)
    return
  }
}

module attributes {stable_mosaic.version = 14 : i64} {
  func.func @body(%arg0: i32, %arg1: memref<8x1024x128xf32, #tpu.memory_space<vmem>>, %arg2: memref<200x64xf32, #tpu.memory_space<vmem>>, %arg3: memref<64x64xf32, #tpu.memory_space<vmem>>, %arg4: memref<8x64x1024xf32, #tpu.memory_space<vmem>>) attributes {dimension_semantics = [#tpu.dimension_semantics<arbitrary>], iteration_bounds = array<i64: 25>, scalar_prefetch = 0 : i64, scratch_operands = 0 : i64, tpu.core_type = #tpu.core_type<tc>, window_params = [{transform_indices = @transform_0, window_bounds = array<i64: 8, 1024, 128>}, {pipeline_mode = #tpu.pipeline_mode<synchronous>, transform_indices = @transform_1, window_bounds = array<i64: 200, 64>}, {pipeline_mode = #tpu.pipeline_mode<synchronous>, transform_indices = @transform_2, window_bounds = array<i64: 64, 64>}, {transform_indices = @transform_3, window_bounds = array<i64: 8, 64, 1024>}]} {
    %mul3A = arith.constant 8 : i32
    %mul3A_0 = arith.muli %arg0, %mul3A : i32
    %get3A = arith.constant 0 : index
    %get3A_1 = arith.constant 0 : index
    %get3A_2 = arith.constant 0 : index
    %get3A_3 = vector.load %arg1[%get3A, %get3A_1, %get3A_2] : memref<8x1024x128xf32, #tpu.memory_space<vmem>>, vector<1x1024x128xf32>
    %get3A_4 = vector.shape_cast %get3A_3 : vector<1x1024x128xf32> to vector<1024x128xf32>
    %slice3A = vector.extract_strided_slice %get3A_4 {offsets = [0, 0], sizes = [1024, 64], strides = [1, 1]} : vector<1024x128xf32> to vector<1024x64xf32>
    %add3A = arith.constant 0 : i32
    %add3A_5 = arith.addi %mul3A_0, %add3A : i32
    %get3A_6 = arith.index_cast %add3A_5 : i32 to index
    %get3A_7 = arith.constant 0 : index
    %get3A_8 = vector.load %arg2[%get3A_6, %get3A_7] : memref<200x64xf32, #tpu.memory_space<vmem>>, vector<1x64xf32>
    %get3A_9 = vector.shape_cast %get3A_8 : vector<1x64xf32> to vector<64xf32>
    %reshape3A = vector.shape_cast %get3A_9 : vector<64xf32> to vector<64x1xf32>
    %get3A_10 = arith.constant 0 : index
    %get3A_11 = arith.constant 0 : index
    %get3A_12 = vector.load %arg3[%get3A_10, %get3A_11] : memref<64x64xf32, #tpu.memory_space<vmem>>, vector<64x64xf32>
    %dot_general3A = arith.constant dense<0.000000e+00> : vector<64x1024xf32>
    %dot_general3A_13 = tpu.matmul %get3A_12, %slice3A, %dot_general3A {dimension_numbers = #tpu.dot_dimension_numbers<[1], [1], [0], [0], [0, 0, 1, 0], [], []>, transpose_lhs_hint = false} : vector<64x64xf32>, vector<1024x64xf32>, vector<64x1024xf32> -> vector<64x1024xf32>
    %add3A_14 = vector.broadcast %reshape3A : vector<64x1xf32> to vector<64x1024xf32>
    %add3A_15 = arith.addf %dot_general3A_13, %add3A_14 : vector<64x1024xf32>
    %swap3A = arith.constant 0 : index
    %swap3A_16 = arith.constant 0 : index
    %swap3A_17 = arith.constant 0 : index
    %swap3A_18 = vector.load %arg4[%swap3A, %swap3A_16, %swap3A_17] : memref<8x64x1024xf32, #tpu.memory_space<vmem>>, vector<1x64x1024xf32>
    %swap3A_19 = vector.shape_cast %swap3A_18 : vector<1x64x1024xf32> to vector<64x1024xf32>
    %swap3A_20 = vector.shape_cast %add3A_15 : vector<64x1024xf32> to vector<1x64x1024xf32>
    tpu.vector_store %arg4[%swap3A, %swap3A_16, %swap3A_17], %swap3A_20 {strides = array<i32>} : memref<8x64x1024xf32, #tpu.memory_space<vmem>>, vector<1x64x1024xf32>,
    %get3A_21 = arith.constant 1 : index
    %get3A_22 = arith.constant 0 : index
    %get3A_23 = arith.constant 0 : index
    %get3A_24 = vector.load %arg1[%get3A_21, %get3A_22, %get3A_23] : memref<8x1024x128xf32, #tpu.memory_space<vmem>>, vector<1x1024x128xf32>
    %get3A_25 = vector.shape_cast %get3A_24 : vector<1x1024x128xf32> to vector<1024x128xf32>
    %slice3A_26 = vector.extract_strided_slice %get3A_25 {offsets = [0, 0], sizes = [1024, 64], strides = [1, 1]} : vector<1024x128xf32> to vector<1024x64xf32>
    %add3A_27 = arith.constant 1 : i32
    %add3A_28 = arith.addi %mul3A_0, %add3A_27 : i32
    %get3A_29 = arith.index_cast %add3A_28 : i32 to index
    %get3A_30 = arith.constant 0 : index
    %get3A_31 = vector.load %arg2[%get3A_29, %get3A_30] : memref<200x64xf32, #tpu.memory_space<vmem>>, vector<1x64xf32>
    %get3A_32 = vector.shape_cast %get3A_31 : vector<1x64xf32> to vector<64xf32>
    %reshape3A_33 = vector.shape_cast %get3A_32 : vector<64xf32> to vector<64x1xf32>
    %get3A_34 = arith.constant 0 : index
    %get3A_35 = arith.constant 0 : index
    %get3A_36 = vector.load %arg3[%get3A_34, %get3A_35] : memref<64x64xf32, #tpu.memory_space<vmem>>, vector<64x64xf32>
    %dot_general3A_37 = arith.constant dense<0.000000e+00> : vector<64x1024xf32>
    %dot_general3A_38 = tpu.matmul %get3A_36, %slice3A_26, %dot_general3A_37 {dimension_numbers = #tpu.dot_dimension_numbers<[1], [1], [0], [0], [0, 0, 1, 0], [], []>, transpose_lhs_hint = false} : vector<64x64xf32>, vector<1024x64xf32>, vector<64x1024xf32> -> vector<64x1024xf32>
    %add3A_39 = vector.broadcast %reshape3A_33 : vector<64x1xf32> to vector<64x1024xf32>
    %add3A_40 = arith.addf %dot_general3A_38, %add3A_39 : vector<64x1024xf32>
    %swap3A_41 = arith.constant 1 : index
    %swap3A_42 = arith.constant 0 : index
    %swap3A_43 = arith.constant 0 : index
    %swap3A_44 = vector.load %arg4[%swap3A_41, %swap3A_42, %swap3A_43] : memref<8x64x1024xf32, #tpu.memory_space<vmem>>, vector<1x64x1024xf32>
    %swap3A_45 = vector.shape_cast %swap3A_44 : vector<1x64x1024xf32> to vector<64x1024xf32>
    %swap3A_46 = vector.shape_cast %add3A_40 : vector<64x1024xf32> to vector<1x64x1024xf32>
    tpu.vector_store %arg4[%swap3A_41, %swap3A_42, %swap3A_43], %swap3A_46 {strides = array<i32>} : memref<8x64x1024xf32, #tpu.memory_space<vmem>>, vector<1x64x1024xf32>,
    %get3A_47 = arith.constant 2 : index
    %get3A_48 = arith.constant 0 : index
    %get3A_49 = arith.constant 0 : index
    %get3A_50 = vector.load %arg1[%get3A_47, %get3A_48, %get3A_49] : memref<8x1024x128xf32, #tpu.memory_space<vmem>>, vector<1x1024x128xf32>
    %get3A_51 = vector.shape_cast %get3A_50 : vector<1x1024x128xf32> to vector<1024x128xf32>
    %slice3A_52 = vector.extract_strided_slice %get3A_51 {offsets = [0, 0], sizes = [1024, 64], strides = [1, 1]} : vector<1024x128xf32> to vector<1024x64xf32>
    %add3A_53 = arith.constant 2 : i32
    %add3A_54 = arith.addi %mul3A_0, %add3A_53 : i32
    %get3A_55 = arith.index_cast %add3A_54 : i32 to index
    %get3A_56 = arith.constant 0 : index
    %get3A_57 = vector.load %arg2[%get3A_55, %get3A_56] : memref<200x64xf32, #tpu.memory_space<vmem>>, vector<1x64xf32>
    %get3A_58 = vector.shape_cast %get3A_57 : vector<1x64xf32> to vector<64xf32>
    %reshape3A_59 = vector.shape_cast %get3A_58 : vector<64xf32> to vector<64x1xf32>
    %get3A_60 = arith.constant 0 : index
    %get3A_61 = arith.constant 0 : index
    %get3A_62 = vector.load %arg3[%get3A_60, %get3A_61] : memref<64x64xf32, #tpu.memory_space<vmem>>, vector<64x64xf32>
    %dot_general3A_63 = arith.constant dense<0.000000e+00> : vector<64x1024xf32>
    %dot_general3A_64 = tpu.matmul %get3A_62, %slice3A_52, %dot_general3A_63 {dimension_numbers = #tpu.dot_dimension_numbers<[1], [1], [0], [0], [0, 0, 1, 0], [], []>, transpose_lhs_hint = false} : vector<64x64xf32>, vector<1024x64xf32>, vector<64x1024xf32> -> vector<64x1024xf32>
    %add3A_65 = vector.broadcast %reshape3A_59 : vector<64x1xf32> to vector<64x1024xf32>
    %add3A_66 = arith.addf %dot_general3A_64, %add3A_65 : vector<64x1024xf32>
    %swap3A_67 = arith.constant 2 : index
    %swap3A_68 = arith.constant 0 : index
    %swap3A_69 = arith.constant 0 : index
    %swap3A_70 = vector.load %arg4[%swap3A_67, %swap3A_68, %swap3A_69] : memref<8x64x1024xf32, #tpu.memory_space<vmem>>, vector<1x64x1024xf32>
    %swap3A_71 = vector.shape_cast %swap3A_70 : vector<1x64x1024xf32> to vector<64x1024xf32>
    %swap3A_72 = vector.shape_cast %add3A_66 : vector<64x1024xf32> to vector<1x64x1024xf32>
    tpu.vector_store %arg4[%swap3A_67, %swap3A_68, %swap3A_69], %swap3A_72 {strides = array<i32>} : memref<8x64x1024xf32, #tpu.memory_space<vmem>>, vector<1x64x1024xf32>,
    %get3A_73 = arith.constant 3 : index
    %get3A_74 = arith.constant 0 : index
    %get3A_75 = arith.constant 0 : index
    %get3A_76 = vector.load %arg1[%get3A_73, %get3A_74, %get3A_75] : memref<8x1024x128xf32, #tpu.memory_space<vmem>>, vector<1x1024x128xf32>
    %get3A_77 = vector.shape_cast %get3A_76 : vector<1x1024x128xf32> to vector<1024x128xf32>
    %slice3A_78 = vector.extract_strided_slice %get3A_77 {offsets = [0, 0], sizes = [1024, 64], strides = [1, 1]} : vector<1024x128xf32> to vector<1024x64xf32>
    %add3A_79 = arith.constant 3 : i32
    %add3A_80 = arith.addi %mul3A_0, %add3A_79 : i32
    %get3A_81 = arith.index_cast %add3A_80 : i32 to index
    %get3A_82 = arith.constant 0 : index
    %get3A_83 = vector.load %arg2[%get3A_81, %get3A_82] : memref<200x64xf32, #tpu.memory_space<vmem>>, vector<1x64xf32>
    %get3A_84 = vector.shape_cast %get3A_83 : vector<1x64xf32> to vector<64xf32>
    %reshape3A_85 = vector.shape_cast %get3A_84 : vector<64xf32> to vector<64x1xf32>
    %get3A_86 = arith.constant 0 : index
    %get3A_87 = arith.constant 0 : index
    %get3A_88 = vector.load %arg3[%get3A_86, %get3A_87] : memref<64x64xf32, #tpu.memory_space<vmem>>, vector<64x64xf32>
    %dot_general3A_89 = arith.constant dense<0.000000e+00> : vector<64x1024xf32>
    %dot_general3A_90 = tpu.matmul %get3A_88, %slice3A_78, %dot_general3A_89 {dimension_numbers = #tpu.dot_dimension_numbers<[1], [1], [0], [0], [0, 0, 1, 0], [], []>, transpose_lhs_hint = false} : vector<64x64xf32>, vector<1024x64xf32>, vector<64x1024xf32> -> vector<64x1024xf32>
    %add3A_91 = vector.broadcast %reshape3A_85 : vector<64x1xf32> to vector<64x1024xf32>
    %add3A_92 = arith.addf %dot_general3A_90, %add3A_91 : vector<64x1024xf32>
    %swap3A_93 = arith.constant 3 : index
    %swap3A_94 = arith.constant 0 : index
    %swap3A_95 = arith.constant 0 : index
    %swap3A_96 = vector.load %arg4[%swap3A_93, %swap3A_94, %swap3A_95] : memref<8x64x1024xf32, #tpu.memory_space<vmem>>, vector<1x64x1024xf32>
    %swap3A_97 = vector.shape_cast %swap3A_96 : vector<1x64x1024xf32> to vector<64x1024xf32>
    %swap3A_98 = vector.shape_cast %add3A_92 : vector<64x1024xf32> to vector<1x64x1024xf32>
    tpu.vector_store %arg4[%swap3A_93, %swap3A_94, %swap3A_95], %swap3A_98 {strides = array<i32>} : memref<8x64x1024xf32, #tpu.memory_space<vmem>>, vector<1x64x1024xf32>,
    %get3A_99 = arith.constant 4 : index
    %get3A_100 = arith.constant 0 : index
    %get3A_101 = arith.constant 0 : index
    %get3A_102 = vector.load %arg1[%get3A_99, %get3A_100, %get3A_101] : memref<8x1024x128xf32, #tpu.memory_space<vmem>>, vector<1x1024x128xf32>
    %get3A_103 = vector.shape_cast %get3A_102 : vector<1x1024x128xf32> to vector<1024x128xf32>
    %slice3A_104 = vector.extract_strided_slice %get3A_103 {offsets = [0, 0], sizes = [1024, 64], strides = [1, 1]} : vector<1024x128xf32> to vector<1024x64xf32>
    %add3A_105 = arith.constant 4 : i32
    %add3A_106 = arith.addi %mul3A_0, %add3A_105 : i32
    %get3A_107 = arith.index_cast %add3A_106 : i32 to index
    %get3A_108 = arith.constant 0 : index
    %get3A_109 = vector.load %arg2[%get3A_107, %get3A_108] : memref<200x64xf32, #tpu.memory_space<vmem>>, vector<1x64xf32>
    %get3A_110 = vector.shape_cast %get3A_109 : vector<1x64xf32> to vector<64xf32>
    %reshape3A_111 = vector.shape_cast %get3A_110 : vector<64xf32> to vector<64x1xf32>
    %get3A_112 = arith.constant 0 : index
    %get3A_113 = arith.constant 0 : index
    %get3A_114 = vector.load %arg3[%get3A_112, %get3A_113] : memref<64x64xf32, #tpu.memory_space<vmem>>, vector<64x64xf32>
    %dot_general3A_115 = arith.constant dense<0.000000e+00> : vector<64x1024xf32>
    %dot_general3A_116 = tpu.matmul %get3A_114, %slice3A_104, %dot_general3A_115 {dimension_numbers = #tpu.dot_dimension_numbers<[1], [1], [0], [0], [0, 0, 1, 0], [], []>, transpose_lhs_hint = false} : vector<64x64xf32>, vector<1024x64xf32>, vector<64x1024xf32> -> vector<64x1024xf32>
    %add3A_117 = vector.broadcast %reshape3A_111 : vector<64x1xf32> to vector<64x1024xf32>
    %add3A_118 = arith.addf %dot_general3A_116, %add3A_117 : vector<64x1024xf32>
    %swap3A_119 = arith.constant 4 : index
    %swap3A_120 = arith.constant 0 : index
    %swap3A_121 = arith.constant 0 : index
    %swap3A_122 = vector.load %arg4[%swap3A_119, %swap3A_120, %swap3A_121] : memref<8x64x1024xf32, #tpu.memory_space<vmem>>, vector<1x64x1024xf32>
    %swap3A_123 = vector.shape_cast %swap3A_122 : vector<1x64x1024xf32> to vector<64x1024xf32>
    %swap3A_124 = vector.shape_cast %add3A_118 : vector<64x1024xf32> to vector<1x64x1024xf32>
    tpu.vector_store %arg4[%swap3A_119, %swap3A_120, %swap3A_121], %swap3A_124 {strides = array<i32>} : memref<8x64x1024xf32, #tpu.memory_space<vmem>>, vector<1x64x1024xf32>,
    %get3A_125 = arith.constant 5 : index
    %get3A_126 = arith.constant 0 : index
    %get3A_127 = arith.constant 0 : index
    %get3A_128 = vector.load %arg1[%get3A_125, %get3A_126, %get3A_127] : memref<8x1024x128xf32, #tpu.memory_space<vmem>>, vector<1x1024x128xf32>
    %get3A_129 = vector.shape_cast %get3A_128 : vector<1x1024x128xf32> to vector<1024x128xf32>
    %slice3A_130 = vector.extract_strided_slice %get3A_129 {offsets = [0, 0], sizes = [1024, 64], strides = [1, 1]} : vector<1024x128xf32> to vector<1024x64xf32>
    %add3A_131 = arith.constant 5 : i32
    %add3A_132 = arith.addi %mul3A_0, %add3A_131 : i32
    %get3A_133 = arith.index_cast %add3A_132 : i32 to index
    %get3A_134 = arith.constant 0 : index
    %get3A_135 = vector.load %arg2[%get3A_133, %get3A_134] : memref<200x64xf32, #tpu.memory_space<vmem>>, vector<1x64xf32>
    %get3A_136 = vector.shape_cast %get3A_135 : vector<1x64xf32> to vector<64xf32>
    %reshape3A_137 = vector.shape_cast %get3A_136 : vector<64xf32> to vector<64x1xf32>
    %get3A_138 = arith.constant 0 : index
    %get3A_139 = arith.constant 0 : index
    %get3A_140 = vector.load %arg3[%get3A_138, %get3A_139] : memref<64x64xf32, #tpu.memory_space<vmem>>, vector<64x64xf32>
    %dot_general3A_141 = arith.constant dense<0.000000e+00> : vector<64x1024xf32>
    %dot_general3A_142 = tpu.matmul %get3A_140, %slice3A_130, %dot_general3A_141 {dimension_numbers = #tpu.dot_dimension_numbers<[1], [1], [0], [0], [0, 0, 1, 0], [], []>, transpose_lhs_hint = false} : vector<64x64xf32>, vector<1024x64xf32>, vector<64x1024xf32> -> vector<64x1024xf32>
    %add3A_143 = vector.broadcast %reshape3A_137 : vector<64x1xf32> to vector<64x1024xf32>
    %add3A_144 = arith.addf %dot_general3A_142, %add3A_143 : vector<64x1024xf32>
    %swap3A_145 = arith.constant 5 : index
    %swap3A_146 = arith.constant 0 : index
    %swap3A_147 = arith.constant 0 : index
    %swap3A_148 = vector.load %arg4[%swap3A_145, %swap3A_146, %swap3A_147] : memref<8x64x1024xf32, #tpu.memory_space<vmem>>, vector<1x64x1024xf32>
    %swap3A_149 = vector.shape_cast %swap3A_148 : vector<1x64x1024xf32> to vector<64x1024xf32>
    %swap3A_150 = vector.shape_cast %add3A_144 : vector<64x1024xf32> to vector<1x64x1024xf32>
    tpu.vector_store %arg4[%swap3A_145, %swap3A_146, %swap3A_147], %swap3A_150 {strides = array<i32>} : memref<8x64x1024xf32, #tpu.memory_space<vmem>>, vector<1x64x1024xf32>,
    %get3A_151 = arith.constant 6 : index
    %get3A_152 = arith.constant 0 : index
    %get3A_153 = arith.constant 0 : index
    %get3A_154 = vector.load %arg1[%get3A_151, %get3A_152, %get3A_153] : memref<8x1024x128xf32, #tpu.memory_space<vmem>>, vector<1x1024x128xf32>
    %get3A_155 = vector.shape_cast %get3A_154 : vector<1x1024x128xf32> to vector<1024x128xf32>
    %slice3A_156 = vector.extract_strided_slice %get3A_155 {offsets = [0, 0], sizes = [1024, 64], strides = [1, 1]} : vector<1024x128xf32> to vector<1024x64xf32>
    %add3A_157 = arith.constant 6 : i32
    %add3A_158 = arith.addi %mul3A_0, %add3A_157 : i32
    %get3A_159 = arith.index_cast %add3A_158 : i32 to index
    %get3A_160 = arith.constant 0 : index
    %get3A_161 = vector.load %arg2[%get3A_159, %get3A_160] : memref<200x64xf32, #tpu.memory_space<vmem>>, vector<1x64xf32>
    %get3A_162 = vector.shape_cast %get3A_161 : vector<1x64xf32> to vector<64xf32>
    %reshape3A_163 = vector.shape_cast %get3A_162 : vector<64xf32> to vector<64x1xf32>
    %get3A_164 = arith.constant 0 : index
    %get3A_165 = arith.constant 0 : index
    %get3A_166 = vector.load %arg3[%get3A_164, %get3A_165] : memref<64x64xf32, #tpu.memory_space<vmem>>, vector<64x64xf32>
    %dot_general3A_167 = arith.constant dense<0.000000e+00> : vector<64x1024xf32>
    %dot_general3A_168 = tpu.matmul %get3A_166, %slice3A_156, %dot_general3A_167 {dimension_numbers = #tpu.dot_dimension_numbers<[1], [1], [0], [0], [0, 0, 1, 0], [], []>, transpose_lhs_hint = false} : vector<64x64xf32>, vector<1024x64xf32>, vector<64x1024xf32> -> vector<64x1024xf32>
    %add3A_169 = vector.broadcast %reshape3A_163 : vector<64x1xf32> to vector<64x1024xf32>
    %add3A_170 = arith.addf %dot_general3A_168, %add3A_169 : vector<64x1024xf32>
    %swap3A_171 = arith.constant 6 : index
    %swap3A_172 = arith.constant 0 : index
    %swap3A_173 = arith.constant 0 : index
    %swap3A_174 = vector.load %arg4[%swap3A_171, %swap3A_172, %swap3A_173] : memref<8x64x1024xf32, #tpu.memory_space<vmem>>, vector<1x64x1024xf32>
    %swap3A_175 = vector.shape_cast %swap3A_174 : vector<1x64x1024xf32> to vector<64x1024xf32>
    %swap3A_176 = vector.shape_cast %add3A_170 : vector<64x1024xf32> to vector<1x64x1024xf32>
    tpu.vector_store %arg4[%swap3A_171, %swap3A_172, %swap3A_173], %swap3A_176 {strides = array<i32>} : memref<8x64x1024xf32, #tpu.memory_space<vmem>>, vector<1x64x1024xf32>,
    %get3A_177 = arith.constant 7 : index
    %get3A_178 = arith.constant 0 : index
    %get3A_179 = arith.constant 0 : index
    %get3A_180 = vector.load %arg1[%get3A_177, %get3A_178, %get3A_179] : memref<8x1024x128xf32, #tpu.memory_space<vmem>>, vector<1x1024x128xf32>
    %get3A_181 = vector.shape_cast %get3A_180 : vector<1x1024x128xf32> to vector<1024x128xf32>
    %slice3A_182 = vector.extract_strided_slice %get3A_181 {offsets = [0, 0], sizes = [1024, 64], strides = [1, 1]} : vector<1024x128xf32> to vector<1024x64xf32>
    %add3A_183 = arith.constant 7 : i32
    %add3A_184 = arith.addi %mul3A_0, %add3A_183 : i32
    %get3A_185 = arith.index_cast %add3A_184 : i32 to index
    %get3A_186 = arith.constant 0 : index
    %get3A_187 = vector.load %arg2[%get3A_185, %get3A_186] : memref<200x64xf32, #tpu.memory_space<vmem>>, vector<1x64xf32>
    %get3A_188 = vector.shape_cast %get3A_187 : vector<1x64xf32> to vector<64xf32>
    %reshape3A_189 = vector.shape_cast %get3A_188 : vector<64xf32> to vector<64x1xf32>
    %get3A_190 = arith.constant 0 : index
    %get3A_191 = arith.constant 0 : index
    %get3A_192 = vector.load %arg3[%get3A_190, %get3A_191] : memref<64x64xf32, #tpu.memory_space<vmem>>, vector<64x64xf32>
    %dot_general3A_193 = arith.constant dense<0.000000e+00> : vector<64x1024xf32>
    %dot_general3A_194 = tpu.matmul %get3A_192, %slice3A_182, %dot_general3A_193 {dimension_numbers = #tpu.dot_dimension_numbers<[1], [1], [0], [0], [0, 0, 1, 0], [], []>, transpose_lhs_hint = false} : vector<64x64xf32>, vector<1024x64xf32>, vector<64x1024xf32> -> vector<64x1024xf32>
    %add3A_195 = vector.broadcast %reshape3A_189 : vector<64x1xf32> to vector<64x1024xf32>
    %add3A_196 = arith.addf %dot_general3A_194, %add3A_195 : vector<64x1024xf32>
    %swap3A_197 = arith.constant 7 : index
    %swap3A_198 = arith.constant 0 : index
    %swap3A_199 = arith.constant 0 : index
    %swap3A_200 = vector.load %arg4[%swap3A_197, %swap3A_198, %swap3A_199] : memref<8x64x1024xf32, #tpu.memory_space<vmem>>, vector<1x64x1024xf32>
    %swap3A_201 = vector.shape_cast %swap3A_200 : vector<1x64x1024xf32> to vector<64x1024xf32>
    %swap3A_202 = vector.shape_cast %add3A_196 : vector<64x1024xf32> to vector<1x64x1024xf32>
    tpu.vector_store %arg4[%swap3A_197, %swap3A_198, %swap3A_199], %swap3A_202 {strides = array<i32>} : memref<8x64x1024xf32, #tpu.memory_space<vmem>>, vector<1x64x1024xf32>,
    return
  }
  func.func @transform_0(%arg0: i32) -> (i32, i32, i32) {
    %c0_i32 = arith.constant 0 : i32
    %c0_i32_0 = arith.constant 0 : i32
    %c0_i32_1 = arith.constant 0 : i32
    return %arg0, %c0_i32, %c0_i32_0 : i32, i32, i32
  }
  func.func @transform_1(%arg0: i32) -> (i32, i32) {
    %c0_i32 = arith.constant 0 : i32
    %c0_i32_0 = arith.constant 0 : i32
    %c0_i32_1 = arith.constant 0 : i32
    return %c0_i32, %c0_i32_0 : i32, i32
  }
  func.func @transform_2(%arg0: i32) -> (i32, i32) {
    %c0_i32 = arith.constant 0 : i32
    %c0_i32_0 = arith.constant 0 : i32
    %c0_i32_1 = arith.constant 0 : i32
    return %c0_i32, %c0_i32_0 : i32, i32
  }
  func.func @transform_3(%arg0: i32) -> (i32, i32, i32) {
    %c0_i32 = arith.constant 0 : i32
    %c0_i32_0 = arith.constant 0 : i32
    %c0_i32_1 = arith.constant 0 : i32
    return %arg0, %c0_i32, %c0_i32_0 : i32, i32, i32
  }
}

</mosaic_0001>

<sc_bundles>
// kernel: kernel.4.cloned.1.call-start
scs
__scs_entry_jumppad:
0x0: {  	(pc) =	sbr.rel $0x88, $3  }
0x1: {  	(tag) =	ssettag $0x0;
	lr =	simm.s32 $0x1  }
0x2: {  	[smem:$0x3F9C] =	sst lr;
	_ =	strace $0xD0000000  }
0x3: {  	_ = 	snop  }
0x4: {  	_ = 	snop  }
0x5: {  	_ = 	snop  }
0x6: {  	_ = 	snop  }
0x7: {  	_ = 	snop  }
__scs_overlays_trampoline_lowered:
0x8: {  	[smem:$0x3FAB] =	sst s0  }
0x9: {  	[smem:$0x3FAC] =	sst s1  }
0xa: {  	[smem:$0x3FAD] =	sst s2  }
0xb: {  	[smem:$0x3FAE] =	sst s3  }
0xc: {  	[smem:$0x3FAF] =	sst s4  }
0xd: {  	[smem:$0x3FB0] =	sst s5  }
0xe: {  	[smem:$0x3FB1] =	sst s6  }
0xf: {  	[smem:$0x3FB2] =	sst s7  }
0x10: {  	[smem:$0x3FB3] =	sst s8  }
0x11: {  	[smem:$0x3FB4] =	sst s9;
	s0 =	simm.s32 @!p0 $0x0  }
0x12: {  	s1 =	sld [smem:$0x3F9A];
	s0 =	simm.s32 @p0 $0x1  }
0x13: {  	[smem:$0x3FB5] =	sst s0;
	s0 =	simm.s32 @!p1 $0x0  }
0x14: {  	s2 =	sld [smem:$0x3F99];
	s0 =	simm.s32 @p1 $0x1  }
0x15: {  	[smem:$0x3FB6] =	sst s0;
	s0 =	simm.s32 @!p2 $0x0  }
0x16: {  	s3 =	sld [smem:$0x3FDB];
	s0 =	simm.s32 @p2 $0x1  }
0x17: {  	s4 =	simm.s32 $0x1BF5;
	[smem:$0x3FB8] =	sst s0  }
0x18: {  	s0 =	sld [smem:$0x3F9B];
	_ =	swait.ge [sflag:s4], $0x0  }
0x19: {  	s7 =	sld [smem:$0x3F9C]  }
0x1a: {  	s8 =	sadd.s32 $0xFFFFE003, lr  }
0x1b: {  	s9 =	sadd.s32 $0xFFFFFEF7, lr;
	s5 =	simm.s32 $0xFFFFFFFF;
	p2 =	slt.u32 s8, $0xFFFFF086  }
0x1c: {  	p1 =	slt.u32 s9, $0xF7A;
	s5 =	simm.s32 @!p2 $0x0  }
0x1d: {  	s5 =	simm.s32 @p1 $0x1;
	p0 =	seq.s32 s7, s2  }
0x1e: {  	s7 =	smul.u32 @!p0 $0xF7A, s2;
	p2 =	seq.s32 @!p0 s5, $0x0  }
0x1f: {  	s9 =	smul.u32 $0xF7A, s1;
	s8 =	simm.s32 @!p0 $0x1BF5;
	p2 =	por !p2, p0  }
0x20: {  	[sflag:s8] =	ssyncset.s32 @!p0 $0xFFFFF086;
	s6 =	sadd.s32 @!p0 s3, s7;
	s7 =	simm.s32 @!p0 $0x108  }
0x21: {  	s3 =	sadd.s32 s3, s9;
	s6 =	sadd.s32 @!p0 $0x88, s6;
	s7 =	simm.s32 @p2 $0x1082  }
0x22: {  	[simem:s7], [sflag:s8] =	dma.local @!p0 [hbm:s6], $0xF7A  }
0x23: {  	s9 =	sor.u32 $0xD0000000, s2;
	s6 =	simm.s32 $0x108;
	_ =	swait.ge @!p0 [sflag:s8], $0x0  }
0x24: {  	s3 =	sadd.s32 $0x88, s3;
	s6 =	simm.s32 @!p1 $0x1082;
	[sflag:s4] =	ssyncset.s32 $0xFFFFF086  }
0x25: {  	[simem:s6], [sflag:s4] =	dma.local [hbm:s3], $0xF7A  }
0x26: {  	[smem:$0x3F9C] =	sst s1;
	(tag) =	ssettag s2;
	_ =	strace s9  }
0x27: {  	s1 =	sld [smem:$0x3FAC]  }
0x28: {  	s2 =	sld [smem:$0x3FAD]  }
0x29: {  	s4 =	sld [smem:$0x3FAF]  }
0x2a: {  	p0 =	seq.s32 s5, $0x0;
	s5 =	sld [smem:$0x3FB0]  }
0x2b: {  	s6 =	sld [smem:$0x3FB1]  }
0x2c: {  	s7 =	sld [smem:$0x3FB2]  }
0x2d: {  	s3 =	simm.s32 $0x108;
	s8 =	sld [smem:$0x3FB3]  }
0x2e: {  	s3 =	simm.s32 @!p0 $0x1082;
	s9 =	sld [smem:$0x3FB4]  }
0x2f: {  	lr =	sadd.s32 s0, s3;
	s0 =	sld [smem:$0x3FAB]  }
0x30: {  	s3 =	sld [smem:$0x3FAE]  }
0x31: {  	[smem:$0x3FB7] =	sst s10  }
0x32: {  	s10 =	sld [smem:$0x3FB5];
	_ =	sdelay $0x3  }
0x33: {  	p0 =	seq.s32 s10, $0x1;
	s10 =	sld [smem:$0x3FB7];
	_ =	sdelay $0x3  }
0x34: {  	[smem:$0x3FB7] =	sst s10  }
0x35: {  	s10 =	sld [smem:$0x3FB6];
	_ =	sdelay $0x3  }
0x36: {  	p1 =	seq.s32 s10, $0x1;
	s10 =	sld [smem:$0x3FB7];
	_ =	sdelay $0x3  }
0x37: {  	[smem:$0x3FB7] =	sst s10  }
0x38: {  	s10 =	sld [smem:$0x3FB8]  }
0x39: {  	_ = 	snop;
	(pc) =	sbr.ind lr, $3  }
0x3a: {  	_ = 	snop  }
0x3b: {  	_ = 	snop  }
0x3c: {  	p2 =	seq.s32 s10, $0x1;
	s10 =	sld [smem:$0x3FB7]  }
0x3d: {  	_ =	shalt  }
0x3e: {  	_ =	shalt  }
0x3f: {  	_ =	shalt  }
0x40: {  	_ =	shalt  }
0x41: {  	_ =	shalt  }
0x42: {  	_ =	shalt  }
0x43: {  	_ =	shalt  }
0x44: {  	_ =	shalt  }
0x45: {  	_ =	shalt  }
0x46: {  	_ =	shalt  }
0x47: {  	_ =	shalt  }
0x48: {  	_ =	shalt  }
0x49: {  	_ =	shalt  }
0x4a: {  	_ =	shalt  }
0x4b: {  	_ =	shalt  }
0x4c: {  	_ =	shalt  }
0x4d: {  	_ =	shalt  }
0x4e: {  	_ =	shalt  }
0x4f: {  	_ =	shalt  }
0x50: {  	_ =	shalt  }
0x51: {  	_ =	shalt  }
0x52: {  	_ =	shalt  }
0x53: {  	_ =	shalt  }
0x54: {  	_ =	shalt  }
0x55: {  	_ =	shalt  }
0x56: {  	_ =	shalt  }
0x57: {  	_ =	shalt  }
0x58: {  	_ =	shalt  }
0x59: {  	_ =	shalt  }
0x5a: {  	_ =	shalt  }
0x5b: {  	_ =	shalt  }
0x5c: {  	_ =	shalt  }
0x5d: {  	_ =	shalt  }
0x5e: {  	_ =	shalt  }
0x5f: {  	_ =	shalt  }
0x60: {  	_ =	shalt  }
0x61: {  	_ =	shalt  }
0x62: {  	_ =	shalt  }
0x63: {  	_ =	shalt  }
0x64: {  	_ =	shalt  }
0x65: {  	_ =	shalt  }
0x66: {  	_ =	shalt  }
0x67: {  	_ =	shalt  }
0x68: {  	_ =	shalt  }
0x69: {  	_ =	shalt  }
0x6a: {  	_ =	shalt  }
0x6b: {  	_ =	shalt  }
0x6c: {  	_ =	shalt  }
0x6d: {  	_ =	shalt  }
0x6e: {  	_ =	shalt  }
0x6f: {  	_ =	shalt  }
0x70: {  	_ =	shalt  }
0x71: {  	_ =	shalt  }
0x72: {  	_ =	shalt  }
0x73: {  	_ =	shalt  }
0x74: {  	_ =	shalt  }
0x75: {  	_ =	shalt  }
0x76: {  	_ =	shalt  }
0x77: {  	_ =	shalt  }
0x78: {  	_ =	shalt  }
0x79: {  	_ =	shalt  }
0x7a: {  	_ =	shalt  }
0x7b: {  	_ =	shalt  }
0x7c: {  	_ =	shalt  }
0x7d: {  	_ =	shalt  }
0x7e: {  	_ =	shalt  }
0x7f: {  	_ =	shalt  }
0x80: {  	_ =	shalt  }
0x81: {  	_ =	shalt  }
0x82: {  	_ =	shalt  }
0x83: {  	_ =	shalt  }
0x84: {  	_ =	shalt  }
0x85: {  	_ =	shalt  }
0x86: {  	_ =	shalt  }
0x87: {  	_ =	shalt  }
.Lfunc_end0:
.L_simem_size_0:
called_computation_lowered:
.L_overlay_start_0:
0x88: {  	s2 =	sld [smem:$0x3FD9]  }
0x89: {  	s3 =	sld [smem:$0x3FFE];
	_ =	sdelay $0x1  }
0x8a: {  	s1 =	srdreg.scid  }
0x8b: {  	s0 =	sand.u32 $0x1, s1  }
0x8c: {  	s14 =	sshll.u32 s0, $0xA;
	s2 =	sadd.s32 s3, s2  }
0x8d: {  	s2 =	sadd.s32 s2, s14  }
0x8e: {  	[smem:$0x3FC3] =	sst s2  }
0x8f: {  	_ = 	snop  }
0x90: {  	s2 =	sld [smem:$0x3FD0];
	_ =	sdelay $0x2  }
0x91: {  	s4 =	simm.s32 $0xA;
	s5 =	simm.s32 $0x10;
	s15 =	sld [smem:$0x3FC6]  }
0x92: {  	[smem:s5], [sflag:s4] =	dma.local [hbm:s2], $0x1  }
0x93: {  	_ =	swait.eq [sflag:s4], $0x1  }
0x94: {  	[sflag:s4] =	ssyncset.done $0x0  }
0x95: {  	[sflag:s4] =	ssyncadd.s32 $0xFFFFFFFF  }
0x96: {  	s16 =	sld [smem:$0x11];
	(tm) =	ssettm $0x1  }
0x97: {  	s17 =	sld [smem:$0x3FFB];
	_ =	sdelay $0x3  }
0x98: {  	_ =	strace s17  }
0x99: {  	s4 =	sld [smem:$0x3FFC];
	_ =	sdelay $0x3  }
0x9a: {  	_ =	strace s4  }
0x9b: {  	s4 =	sld [smem:$0x3FFD];
	_ =	sdelay $0x3  }
0x9c: {  	_ =	strace s4  }
0x9d: {  	_ =	strace $0x8FFFFFFF  }
0x9e: {  	s18 =	sld [smem:$0x3FDB];
	_ =	sdelay $0x1  }
0x9f: {  	s19 =	simm.s32 $_scs_section_size  }
0xa0: {  	s6 =	simm.s32 $_size__tile_overlayer_lowered;
	s7 =	simm.s32 $_tile_overlayer_lowered  }
0xa1: {  	s22 =	simm.s32 $0x1BFF;
	s21 =	sshll.u32 s7, $0x1;
	s4 =	sadd.s32 s19, s18  }
0xa2: {  	s8 =	simm.s32 $0x0;
	s20 =	sshll.u32 s6, $0x1;
	s6 =	sadd.s32 s21, s4  }
0xa3: {  	[timem:s8], [sflag:s22] =	dma.local [hbm:s6], s20  }
0xa4: {  	_ =	swait.ge [sflag:s22], s20  }
0xa5: {  	s5 =	ssub.s32 $0x0, s20;
	[sflag:s22] =	ssyncset.done $0x0  }
0xa6: {  	[sflag:s22] =	ssyncadd.s32 s5;
	_ =	sdelay $0x1  }
0xa7: {  	s23 =	simm.s32 $0x1B8B  }
0xa8: {  	_ =	swait.ge [sflag:s23], $0x1  }
0xa9: {  	[sflag:s23] =	ssyncset.done $0x0  }
0xaa: {  	s25 =	simm.s32 $0x1B8E;
	s24 =	sld [smem:$0x3FFE];
	[sflag:s23] =	ssyncadd.s32 $0xFFFFFFFF  }
0xab: {  	s26 =	simm.s32 $execute0_lowered;
	[smem:$0x3FD2] =	sst s25  }
0xac: {  	s6 =	sshll.u32 s26, $0x1;
	_ =	strace $0x80000046;
	[dreg:$0x1] =	wrdreg $0xFFFFFFFF  }
0xad: {  	s28 =	simm.s32 $_size_execute0_lowered;
	s4 =	sadd.s32 s4, s6;
	[dreg:$0x0] =	wrdreg $0x0  }
0xae: {  	s6 =	sshll.u32 s28, $0x1;
	[dreg:$0x2] =	wrdreg s4  }
0xaf: {  	[dreg:$0x3] =	wrdreg s6  }
0xb0: {  	[dreg:$0x4] =	wrdreg $0xC0  }
0xb1: {  	_ =	task [dreg:s8], $0x5FFFF  }
0xb2: {  	[dreg:$0x1] =	wrdreg $0xFFFFFFFF  }
0xb3: {  	[dreg:$0x0] =	wrdreg $0x60  }
0xb4: {  	[dreg:$0x2] =	wrdreg s16  }
0xb5: {  	[dreg:$0x3] =	wrdreg s15  }
0xb6: {  	[dreg:$0x4] =	wrdreg s24  }
0xb7: {  	[dreg:$0x5] =	wrdreg $0x9  }
0xb8: {  	_ =	task.clear_ibuf [dreg:s8], $0x6FFFF;
	_ =	strace $0x90000046  }
0xb9: {  	s29 =	simm.s32 $0x9;
	_ =	strace $0x80000048  }
0xba: {  	_ =	swait.ge [sflag:s29], $0x1  }
0xbb: {  	[sflag:s29] =	ssyncadd.s32 $0xFFFFFFFF  }
0xbc: {  	_ =	strace $0x90000048  }
0xbd: {  	_ =	sfence  }
0xbe: {  	s30 =	sld [smem:$0x0];
	_ =	sdelay $0x2  }
0xbf: {  	s31 =	sshll.u32 s1, $0xD;
	s1 =	sshrl.u32 s1, $0x2  }
0xc0: {  	s3 =	sand.u32 $0x4000, s31;
	s1 =	sadd.s32 s1, s30  }
0xc1: {  	s0 =	sor.u32 s3, s0;
	s1 =	sshll.u32 s1, $0x11  }
0xc2: {  	s0 =	sor.u32 s1, s0  }
0xc3: {  	s0 =	sadd.s32 $0x8F2B, s0  }
0xc4: {  	[sflag:s0] =	ssyncadd.remote.s32 $0x1  }
0xc5: {  	_ =	sfence.sel $0xFFFF  }
0xc6: {  	[dreg:$0x0] =	wrdreg $0xFFFFFFFF;
	(pc) =	sbr.abs _section_cstart, $3  }
0xc7: {  	[dreg:$0x1] =	wrdreg $0xFFFFFFFF  }
0xc8: {  	_ =	task.clear_ibuf [dreg:s8], $0x2FFFF;
	_ =	strace $0x9FFFFFFF  }
0xc9: {  	(tm) =	ssettm $0x7FFFFFFF  }
tec
execute0_lowered:
.L_overlay_start_1:
0x0: {  	(tag) =	ssettag $0x1  }
0x1: {  	s0 =	rddreg [dreg:$0x0]  }
0x2: {  	s2 =	rddreg [dreg:$0x1]  }
0x3: {  	s1 =	rddreg [dreg:$0x2]  }
0x4: {  	s3 =	srdreg.scid;
	s13 =	stileid.u32  }
0x5: {  	s6 =	simm.s32 $0x0;
	s16 =	simm.s32 $0x6;
	s17 =	simm.s32 $0xC8  }
0x6: {  	s18 =	simm.s32 $0x1;
	s19 =	simm.s32 $0x190;
	s21 =	simm.s32 $0x3200  }
0x7: {  	s22 =	simm.s32 $0x2;
	s24 =	simm.s32 $0xFA00;
	s28 =	simm.s32 $0x9600  }
0x8: {  	s29 =	simm.s32 $0x3;
	s30 =	simm.s32 $0x4;
	s20 =	simm.s32 $0x0  }
0x9: {  	s3 =	sand.u32 $0x1, s3;
	s4 =	sshll.u32 s13, $0x6;
	[smem:$0x7FF] =	sst s6  }
0xa: {  	s14 =	sadd.s32 $0xA00, s1;
	s15 =	sshll.u32 s13, $0xA;
	s5 =	sshll.u32 s3, $0x5  }
0xb: {  	_ =	strace $0x80000047;
	s26 =	ssub.s32 $0x2, s3;
	s15 =	sadd.s32 s15, s14  }
0xc: {  	s3 =	sshll.u32 s3, $0x9;
	s25 =	sor.u32 s5, s4;
	s4 =	sadd.s32 $0xF42E00, s1  }
0xd: {  	s8 =	sshrl.u32 s26, $0x1;
	s1 =	sadd.s32 $0xA10, s1;
	s15 =	sadd.s32 s3, s15  }
0xe: {  	s7 =	smul.u32 $0x19, s25;
	s8 =	ssub.s32 s26, s8;
	s31 =	sshll.u32 s25, $0x4  }
0xf: {  	s25 =	simm.s32 $0x80;
	s26 =	simm.s32 $0x20000;
	s6 =	smax.u32 s8, $0x1  }
0x10: {  	s8 =	sadd.s32 s31, s1;
	s10 =	sor.u32 $0x20, s31;
	s12 =	sor.u32 $0x1C0, s31  }
0x11: {  	s0 =	sadd.s32 s0, s7;
	s7 =	sadd.s32 s14, s31;
	s9 =	sadd.s32 s14, s10  }
0x12: {  	s10 =	sadd.s32 s10, s1;
	[dreg:$0x4] =	wrdreg s0;
	s0 =	sor.u32 $0x1E0, s31  }
0x13: {  	s11 =	sadd.s32 s14, s12;
	s12 =	sadd.s32 s12, s1;
	s13 =	sadd.s32 s14, s0  }
0x14: {  	s14 =	sadd.s32 s0, s1;
	s0 =	simm.s32 $0x15E00;
	s1 =	simm.s32 $0x5  }
.LBB2_1:
0x15: {  	s3 =	simm.s32 $0x0;
	s5 =	rddreg [dreg:$0x4]  }
0x16: {  	[tilespmem:s3], [sflag:$0x6] =	stream.linear.gather [hbm4b:s5+s3], $0x1900, $0x38;
	[tilespmem:$0x1C200] =	vst v63  }
0x17: {  	_ =	swait.ge [sflag:s16], $0x1900  }
0x18: {  	s23 =	simm.s32 $0x320;
	[sflag:s16] =	ssyncset.done $0x0  }
0x19: {  	s31 =	simm.s32 $0x0;
	s3 =	simm.s32 $0x1900;
	[sflag:s16] =	ssyncadd.s32 $0xFFFFE700  }
.LBB2_2:
0x1a: {  	[tilespmem:s3], [sflag:$0x1] =	stream.indirect.gather [hbm4b:s2+s17], $0x1, s31, s17, $0xb8;
	[tilespmem:$0x1C200] =	vst v63  }
0x1b: {  	s3 =	smov.u32 s23;
	p0 =	sne.s32 s23, $0x60E0  }
.Ltmp0:
0x1c: {  	s23 =	sadd.s32 $0x320, s23;
	(pc) =	sbr.rel @p0 .LBB2_2-.Ltmp0, $3  }
0x1d: {  	_ =	sdelay $0x1  }
0x1e: {  	s31 =	sshra.s32 s3, $0x2  }
0x1f: {  	s3 =	sadd.s32 $0x1900, s31  }
0x20: {  	[tilespmem:s3], [sflag:$0x1] =	stream.indirect.gather [hbm4b:s2+s17], $0x1, s31, s17, $0xb8;
	[tilespmem:$0x1C200] =	vst v63  }
0x21: {  	_ =	swait.ge [sflag:s18], $0xC8  }
0x22: {  	[sflag:s18] =	ssyncset.done $0x0  }
0x23: {  	[sflag:s18] =	ssyncadd.s32 $0xFFFFFF38  }
0x24: {  	_ =	swait.ge [sflag:s18], $0xC8  }
0x25: {  	[sflag:s18] =	ssyncset.done $0x0  }
0x26: {  	[sflag:s18] =	ssyncadd.s32 $0xFFFFFF38  }
0x27: {  	_ =	swait.ge [sflag:s18], $0xC8  }
0x28: {  	[sflag:s18] =	ssyncset.done $0x0  }
0x29: {  	[sflag:s18] =	ssyncadd.s32 $0xFFFFFF38  }
0x2a: {  	_ =	swait.ge [sflag:s18], $0xC8  }
0x2b: {  	[sflag:s18] =	ssyncset.done $0x0  }
0x2c: {  	[sflag:s18] =	ssyncadd.s32 $0xFFFFFF38  }
0x2d: {  	_ =	swait.ge [sflag:s18], $0xC8  }
0x2e: {  	[sflag:s18] =	ssyncset.done $0x0  }
0x2f: {  	[sflag:s18] =	ssyncadd.s32 $0xFFFFFF38  }
0x30: {  	_ =	swait.ge [sflag:s18], $0xC8  }
0x31: {  	[sflag:s18] =	ssyncset.done $0x0  }
0x32: {  	[sflag:s18] =	ssyncadd.s32 $0xFFFFFF38  }
0x33: {  	_ =	swait.ge [sflag:s18], $0xC8  }
0x34: {  	[sflag:s18] =	ssyncset.done $0x0  }
0x35: {  	[sflag:s18] =	ssyncadd.s32 $0xFFFFFF38  }
0x36: {  	_ =	swait.ge [sflag:s18], $0xC8  }
0x37: {  	[sflag:s18] =	ssyncset.done $0x0  }
0x38: {  	[sflag:s18] =	ssyncadd.s32 $0xFFFFFF38  }
0x39: {  	_ =	swait.ge [sflag:s18], $0xC8  }
0x3a: {  	[sflag:s18] =	ssyncset.done $0x0  }
0x3b: {  	[sflag:s18] =	ssyncadd.s32 $0xFFFFFF38  }
0x3c: {  	_ =	swait.ge [sflag:s18], $0xC8  }
0x3d: {  	[sflag:s18] =	ssyncset.done $0x0  }
0x3e: {  	[sflag:s18] =	ssyncadd.s32 $0xFFFFFF38  }
0x3f: {  	_ =	swait.ge [sflag:s18], $0xC8  }
0x40: {  	[sflag:s18] =	ssyncset.done $0x0  }
0x41: {  	[sflag:s18] =	ssyncadd.s32 $0xFFFFFF38  }
0x42: {  	_ =	swait.ge [sflag:s18], $0xC8  }
0x43: {  	[sflag:s18] =	ssyncset.done $0x0  }
0x44: {  	[sflag:s18] =	ssyncadd.s32 $0xFFFFFF38  }
0x45: {  	_ =	swait.ge [sflag:s18], $0xC8  }
0x46: {  	[sflag:s18] =	ssyncset.done $0x0  }
0x47: {  	[sflag:s18] =	ssyncadd.s32 $0xFFFFFF38  }
0x48: {  	_ =	swait.ge [sflag:s18], $0xC8  }
0x49: {  	[sflag:s18] =	ssyncset.done $0x0  }
0x4a: {  	[sflag:s18] =	ssyncadd.s32 $0xFFFFFF38  }
0x4b: {  	_ =	swait.ge [sflag:s18], $0xC8  }
0x4c: {  	[sflag:s18] =	ssyncset.done $0x0  }
0x4d: {  	[sflag:s18] =	ssyncadd.s32 $0xFFFFFF38  }
0x4e: {  	_ =	swait.ge [sflag:s18], $0xC8  }
0x4f: {  	[sflag:s18] =	ssyncset.done $0x0  }
0x50: {  	[sflag:s18] =	ssyncadd.s32 $0xFFFFFF38  }
0x51: {  	_ =	swait.ge [sflag:s18], $0xC8  }
0x52: {  	[sflag:s18] =	ssyncset.done $0x0  }
0x53: {  	[sflag:s18] =	ssyncadd.s32 $0xFFFFFF38  }
0x54: {  	_ =	swait.ge [sflag:s18], $0xC8  }
0x55: {  	[sflag:s18] =	ssyncset.done $0x0  }
0x56: {  	[sflag:s18] =	ssyncadd.s32 $0xFFFFFF38  }
0x57: {  	_ =	swait.ge [sflag:s18], $0xC8  }
0x58: {  	[sflag:s18] =	ssyncset.done $0x0  }
0x59: {  	[sflag:s18] =	ssyncadd.s32 $0xFFFFFF38  }
0x5a: {  	_ =	swait.ge [sflag:s18], $0xC8  }
0x5b: {  	[sflag:s18] =	ssyncset.done $0x0  }
0x5c: {  	[sflag:s18] =	ssyncadd.s32 $0xFFFFFF38  }
0x5d: {  	_ =	swait.ge [sflag:s18], $0xC8  }
0x5e: {  	[sflag:s18] =	ssyncset.done $0x0  }
0x5f: {  	[sflag:s18] =	ssyncadd.s32 $0xFFFFFF38  }
0x60: {  	_ =	swait.ge [sflag:s18], $0xC8  }
0x61: {  	[sflag:s18] =	ssyncset.done $0x0  }
0x62: {  	[sflag:s18] =	ssyncadd.s32 $0xFFFFFF38  }
0x63: {  	_ =	swait.ge [sflag:s18], $0xC8  }
0x64: {  	[sflag:s18] =	ssyncset.done $0x0  }
0x65: {  	[sflag:s18] =	ssyncadd.s32 $0xFFFFFF38  }
0x66: {  	_ =	swait.ge [sflag:s18], $0xC8  }
0x67: {  	[sflag:s18] =	ssyncset.done $0x0  }
0x68: {  	[sflag:s18] =	ssyncadd.s32 $0xFFFFFF38  }
0x69: {  	_ =	swait.ge [sflag:s18], $0xC8  }
0x6a: {  	[sflag:s18] =	ssyncset.done $0x0  }
0x6b: {  	[sflag:s18] =	ssyncadd.s32 $0xFFFFFF38  }
0x6c: {  	_ =	swait.ge [sflag:s18], $0xC8  }
0x6d: {  	[sflag:s18] =	ssyncset.done $0x0  }
0x6e: {  	[sflag:s18] =	ssyncadd.s32 $0xFFFFFF38  }
0x6f: {  	_ =	swait.ge [sflag:s18], $0xC8  }
0x70: {  	[sflag:s18] =	ssyncset.done $0x0  }
0x71: {  	[sflag:s18] =	ssyncadd.s32 $0xFFFFFF38  }
0x72: {  	_ =	swait.ge [sflag:s18], $0xC8  }
0x73: {  	[sflag:s18] =	ssyncset.done $0x0  }
0x74: {  	[sflag:s18] =	ssyncadd.s32 $0xFFFFFF38  }
0x75: {  	_ =	swait.ge [sflag:s18], $0xC8  }
0x76: {  	[sflag:s18] =	ssyncset.done $0x0  }
0x77: {  	[sflag:s18] =	ssyncadd.s32 $0xFFFFFF38  }
0x78: {  	_ =	swait.ge [sflag:s18], $0xC8  }
0x79: {  	[sflag:s18] =	ssyncset.done $0x0  }
0x7a: {  	[sflag:s18] =	ssyncadd.s32 $0xFFFFFF38  }
0x7b: {  	_ =	swait.ge [sflag:s18], $0xC8  }
0x7c: {  	[sflag:s18] =	ssyncset.done $0x0  }
0x7d: {  	[sflag:s18] =	ssyncadd.s32 $0xFFFFFF38  }
0x7e: {  	_ =	swait.ge [sflag:s18], $0xC8  }
0x7f: {  	[sflag:s18] =	ssyncset.done $0x0  }
0x80: {  	s5 =	simm.s32 $0x1900;
	[sflag:s18] =	ssyncadd.s32 $0xFFFFFF38  }
0x81: {  	[tilespmem:s21], [sflag:$0x2] =	stream.indirect.gather [hbm4b:s4+s19], $0x80, s5, s19, $0xb8;
	[tilespmem:$0x1C200] =	vst v63  }
0x82: {  	_ =	swait.ge [sflag:s22], $0xC800  }
0x83: {  	[sflag:s22] =	ssyncset.done $0x0  }
0x84: {  	s23 =	simm.s32 $0x1A90;
	[sflag:s22] =	ssyncadd.s32 $0xFFFF3800  }
0x85: {  	[tilespmem:s24], [sflag:$0x3] =	stream.indirect.gather [hbm4b:s4+s19], $0x80, s23, s19, $0xb8;
	[tilespmem:$0x1C200] =	vst v63  }
0x86: {  	_ = 	snop  }
0x87: {  	[hbm4b:s7+s25] =	stream.strided.scatter [tilespmem:s21], [sflag:$0x4], $0x6400, s26, s25, $0x38;
	[tilespmem:$0x1C200] =	vst v63  }
0x88: {  	_ = 	snop  }
0x89: {  	[hbm4b:s8+s25] =	stream.strided.scatter [tilespmem:s28], [sflag:$0x4], $0x6400, s26, s25, $0x38;
	[tilespmem:$0x1C200] =	vst v63  }
0x8a: {  	_ =	swait.ge [sflag:s29], $0xC800  }
0x8b: {  	[sflag:s29] =	ssyncset.done $0x0  }
0x8c: {  	[sflag:s29] =	ssyncadd.s32 $0xFFFF3800  }
0x8d: {  	_ =	swait.ge [sflag:s30], $0x6400  }
0x8e: {  	[sflag:s30] =	ssyncset.done $0x0  }
0x8f: {  	[sflag:s30] =	ssyncadd.s32 $0xFFFF9C00  }
0x90: {  	_ =	swait.ge [sflag:s30], $0x6400  }
0x91: {  	[sflag:s30] =	ssyncset.done $0x0  }
0x92: {  	s5 =	simm.s32 $0x1C20;
	[sflag:s30] =	ssyncadd.s32 $0xFFFF9C00  }
0x93: {  	[tilespmem:s21], [sflag:$0x2] =	stream.indirect.gather [hbm4b:s4+s19], $0x80, s5, s19, $0xb8;
	[tilespmem:$0x1C200] =	vst v63  }
0x94: {  	_ = 	snop  }
0x95: {  	[hbm4b:s9+s25] =	stream.strided.scatter [tilespmem:s24], [sflag:$0x5], $0x6400, s26, s25, $0x38;
	[tilespmem:$0x1C200] =	vst v63  }
0x96: {  	_ = 	snop  }
0x97: {  	[hbm4b:s10+s25] =	stream.strided.scatter [tilespmem:s0], [sflag:$0x5], $0x6400, s26, s25, $0x38;
	[tilespmem:$0x1C200] =	vst v63  }
0x98: {  	_ =	swait.ge [sflag:s22], $0xC800  }
0x99: {  	[sflag:s22] =	ssyncset.done $0x0  }
0x9a: {  	[sflag:s22] =	ssyncadd.s32 $0xFFFF3800  }
0x9b: {  	_ =	swait.ge [sflag:s1], $0x6400  }
0x9c: {  	[sflag:s1] =	ssyncset.done $0x0  }
0x9d: {  	[sflag:s1] =	ssyncadd.s32 $0xFFFF9C00  }
0x9e: {  	_ =	swait.ge [sflag:s1], $0x6400  }
0x9f: {  	[sflag:s1] =	ssyncset.done $0x0  }
0xa0: {  	s31 =	sadd.s32 $0x0, s15;
	s23 =	simm.s32 $0x1DB0;
	[sflag:s1] =	ssyncadd.s32 $0xFFFF9C00  }
0xa1: {  	[tilespmem:s24], [sflag:$0x3] =	stream.indirect.gather [hbm4b:s4+s19], $0x80, s23, s19, $0xb8;
	[tilespmem:$0x1C200] =	vst v63  }
0xa2: {  	s5 =	sadd.s32 $0x40, s31  }
0xa3: {  	[hbm4b:s5+s25] =	stream.strided.scatter [tilespmem:s21], [sflag:$0x4], $0x6400, s26, s25, $0x38;
	[tilespmem:$0x1C200] =	vst v63  }
0xa4: {  	s23 =	sadd.s32 $0x50, s31  }
0xa5: {  	[hbm4b:s23+s25] =	stream.strided.scatter [tilespmem:s28], [sflag:$0x4], $0x6400, s26, s25, $0x38;
	[tilespmem:$0x1C200] =	vst v63  }
0xa6: {  	_ =	swait.ge [sflag:s29], $0xC800  }
0xa7: {  	[sflag:s29] =	ssyncset.done $0x0  }
0xa8: {  	[sflag:s29] =	ssyncadd.s32 $0xFFFF3800  }
0xa9: {  	_ =	swait.ge [sflag:s30], $0x6400  }
0xaa: {  	[sflag:s30] =	ssyncset.done $0x0  }
0xab: {  	[sflag:s30] =	ssyncadd.s32 $0xFFFF9C00  }
0xac: {  	_ =	swait.ge [sflag:s30], $0x6400  }
0xad: {  	[sflag:s30] =	ssyncset.done $0x0  }
0xae: {  	s5 =	simm.s32 $0x1F40;
	[sflag:s30] =	ssyncadd.s32 $0xFFFF9C00  }
0xaf: {  	[tilespmem:s21], [sflag:$0x2] =	stream.indirect.gather [hbm4b:s4+s19], $0x80, s5, s19, $0xb8;
	[tilespmem:$0x1C200] =	vst v63  }
0xb0: {  	s23 =	sadd.s32 $0x60, s31  }
0xb1: {  	[hbm4b:s23+s25] =	stream.strided.scatter [tilespmem:s24], [sflag:$0x5], $0x6400, s26, s25, $0x38;
	[tilespmem:$0x1C200] =	vst v63  }
0xb2: {  	s3 =	sadd.s32 $0x70, s31;
	s31 =	simm.s32 $0x2260;
	s23 =	simm.s32 $0x40  }
.LBB2_4:
0xb3: {  	[hbm4b:s3+s25] =	stream.strided.scatter [tilespmem:s0], [sflag:$0x5], $0x6400, s26, s25, $0x38;
	[tilespmem:$0x1C200] =	vst v63  }
0xb4: {  	s3 =	smov.u32 s23  }
0xb5: {  	p0 =	sne.s32 s23, $0x140;
	s23 =	sadd.s32 $0x40, s23;
	_ =	swait.ge [sflag:s22], $0xC800  }
0xb6: {  	[sflag:s22] =	ssyncset.done $0x0  }
0xb7: {  	[sflag:s22] =	ssyncadd.s32 $0xFFFF3800  }
0xb8: {  	_ =	swait.ge [sflag:s1], $0x6400  }
0xb9: {  	[sflag:s1] =	ssyncset.done $0x0  }
0xba: {  	[sflag:s1] =	ssyncadd.s32 $0xFFFF9C00  }
0xbb: {  	_ =	swait.ge [sflag:s1], $0x6400  }
0xbc: {  	[sflag:s1] =	ssyncset.done $0x0  }
0xbd: {  	s5 =	sadd.s32 $0xFFFFFE70, s31;
	s3 =	sadd.s32 s3, s15;
	[sflag:s1] =	ssyncadd.s32 $0xFFFF9C00  }
0xbe: {  	[tilespmem:s24], [sflag:$0x3] =	stream.indirect.gather [hbm4b:s4+s19], $0x80, s5, s19, $0xb8;
	[tilespmem:$0x1C200] =	vst v63  }
0xbf: {  	s5 =	sadd.s32 $0x40, s3  }
0xc0: {  	[hbm4b:s5+s25] =	stream.strided.scatter [tilespmem:s21], [sflag:$0x4], $0x6400, s26, s25, $0x38;
	[tilespmem:$0x1C200] =	vst v63  }
0xc1: {  	s5 =	sadd.s32 $0x50, s3  }
0xc2: {  	[hbm4b:s5+s25] =	stream.strided.scatter [tilespmem:s28], [sflag:$0x4], $0x6400, s26, s25, $0x38;
	[tilespmem:$0x1C200] =	vst v63  }
0xc3: {  	_ =	swait.ge [sflag:s29], $0xC800  }
0xc4: {  	[sflag:s29] =	ssyncset.done $0x0  }
0xc5: {  	[sflag:s29] =	ssyncadd.s32 $0xFFFF3800  }
0xc6: {  	_ =	swait.ge [sflag:s30], $0x6400  }
0xc7: {  	[sflag:s30] =	ssyncset.done $0x0  }
0xc8: {  	[sflag:s30] =	ssyncadd.s32 $0xFFFF9C00  }
0xc9: {  	_ =	swait.ge [sflag:s30], $0x6400  }
0xca: {  	[sflag:s30] =	ssyncset.done $0x0  }
.Ltmp1:
0xcb: {  	[sflag:s30] =	ssyncadd.s32 $0xFFFF9C00;
	(pc) =	sbr.rel @p0 .LBB2_4-.Ltmp1, $4  }
0xcc: {  	[tilespmem:s21], [sflag:$0x2] =	stream.indirect.gather [hbm4b:s4+s19], $0x80, s31, s19, $0xb8;
	[tilespmem:$0x1C200] =	vst v63  }
0xcd: {  	s5 =	sadd.s32 $0x60, s3  }
0xce: {  	[hbm4b:s5+s25] =	stream.strided.scatter [tilespmem:s24], [sflag:$0x5], $0x6400, s26, s25, $0x38;
	[tilespmem:$0x1C200] =	vst v63  }
0xcf: {  	s3 =	sadd.s32 $0x70, s3;
	s31 =	sadd.s32 $0x320, s31  }
0xd0: {  	[hbm4b:s3+s25] =	stream.strided.scatter [tilespmem:s0], [sflag:$0x5], $0x6400, s26, s25, $0x38;
	[tilespmem:$0x1C200] =	vst v63  }
0xd1: {  	_ =	swait.ge [sflag:s22], $0xC800  }
0xd2: {  	[sflag:s22] =	ssyncset.done $0x0  }
0xd3: {  	[sflag:s22] =	ssyncadd.s32 $0xFFFF3800  }
0xd4: {  	_ =	swait.ge [sflag:s1], $0x6400  }
0xd5: {  	[sflag:s1] =	ssyncset.done $0x0  }
0xd6: {  	[sflag:s1] =	ssyncadd.s32 $0xFFFF9C00  }
0xd7: {  	_ =	swait.ge [sflag:s1], $0x6400  }
0xd8: {  	[sflag:s1] =	ssyncset.done $0x0  }
0xd9: {  	s31 =	simm.s32 $0x3070;
	[sflag:s1] =	ssyncadd.s32 $0xFFFF9C00  }
0xda: {  	[tilespmem:s24], [sflag:$0x3] =	stream.indirect.gather [hbm4b:s4+s19], $0x80, s31, s19, $0xb8;
	[tilespmem:$0x1C200] =	vst v63  }
0xdb: {  	_ = 	snop  }
0xdc: {  	[hbm4b:s11+s25] =	stream.strided.scatter [tilespmem:s21], [sflag:$0x4], $0x6400, s26, s25, $0x38;
	[tilespmem:$0x1C200] =	vst v63  }
0xdd: {  	_ = 	snop  }
0xde: {  	[hbm4b:s12+s25] =	stream.strided.scatter [tilespmem:s28], [sflag:$0x4], $0x6400, s26, s25, $0x38;
	[tilespmem:$0x1C200] =	vst v63  }
0xdf: {  	_ =	swait.ge [sflag:s29], $0xC800  }
0xe0: {  	[sflag:s29] =	ssyncset.done $0x0  }
0xe1: {  	[sflag:s29] =	ssyncadd.s32 $0xFFFF3800  }
0xe2: {  	[hbm4b:s13+s25] =	stream.strided.scatter [tilespmem:s24], [sflag:$0x5], $0x6400, s26, s25, $0x38;
	[tilespmem:$0x1C200] =	vst v63  }
0xe3: {  	_ = 	snop  }
0xe4: {  	[hbm4b:s14+s25] =	stream.strided.scatter [tilespmem:s0], [sflag:$0x5], $0x6400, s26, s25, $0x38;
	[tilespmem:$0x1C200] =	vst v63  }
0xe5: {  	_ =	swait.ge [sflag:s30], $0x6400  }
0xe6: {  	[sflag:s30] =	ssyncset.done $0x0  }
0xe7: {  	[sflag:s30] =	ssyncadd.s32 $0xFFFF9C00  }
0xe8: {  	_ =	swait.ge [sflag:s30], $0x6400  }
0xe9: {  	[sflag:s30] =	ssyncset.done $0x0  }
0xea: {  	s20 =	sadd.s32 $0x1, s20;
	[sflag:s30] =	ssyncadd.s32 $0xFFFF9C00  }
0xeb: {  	p0 =	sne.s32 s20, s6;
	_ =	swait.ge [sflag:s1], $0x6400  }
.Ltmp2:
0xec: {  	[sflag:s1] =	ssyncset.done $0x0;
	(pc) =	sbr.rel @p0 .LBB2_1-.Ltmp2, $4  }
0xed: {  	[sflag:s1] =	ssyncadd.s32 $0xFFFF9C00  }
0xee: {  	_ =	swait.ge [sflag:s1], $0x6400  }
0xef: {  	[sflag:s1] =	ssyncset.done $0x0  }
0xf0: {  	[sflag:s1] =	ssyncadd.s32 $0xFFFF9C00  }
0xf1: {  	_ =	sfence.sel $0x180000  }
0xf2: {  	[bflag:$0x0] =	sbarrier.arrive $0xFFFF  }
0xf3: {  	_ =	strace $0x90000047  }
0xf4: {  	s0 =	stileid.u32;
	[bflag:$0x2] =	sbarrier.arrive $0xFFFF  }
0xf5: {  	p0 =	sne.s32 s0, $0x0;
	s0 =	rddreg [dreg:$0x3]  }
0xf6: {  	s0 =	sadd.s32 @!p0 $0x100000, s0  }
0xf7: {  	[sflag:s0] =	ssyncadd.tile.s32 @!p0 $0x1;
	_ =	shalt  }
.Lfunc_end2:
_tile_overlayer_lowered:
.L_overlay_start_2:
0xf8: {  	(tag) =	ssettag $0x2  }
0xf9: {  	s0 =	rddreg [dreg:$0x0];
	s2 =	stileid.u32  }
0xfa: {  	s1 =	rddreg [dreg:$0x1];
	p0 =	sne.s32 s2, $0x0  }
0xfb: {  	s3 =	rddreg [dreg:$0x2];
	[bflag:$0x3] =	sbarrier.arrive $0xFFFF;
	s2 =	simm.s32 @!p0 $0x1C06  }
0xfc: {  	[timem:s3], [sflag:s2] =	dma.local @!p0 [hbm:s0], s1  }
0xfd: {  	s0 =	simm.s32 @!p0 $0x6  }
0xfe: {  	_ =	swait.ge @!p0 [sflag:s0], s1  }
0xff: {  	s1 =	ssub.s32 @!p0 $0x0, s1;
	[sflag:s0] =	ssyncset.done @!p0 $0x0  }
0x100: {  	[sflag:s0] =	ssyncadd.s32 @!p0 s1  }
0x101: {  	[bflag:$0x3] =	sbarrier.arrive $0xFFFF  }
0x102: {  	_ =	shalt  }

</sc_bundles>
